<compile_context>
chip_gen: v7x
topology: tpu7x:2x2x1
jax: 0.10.2.dev20260603
libtpu: 0.0.44.dev20260713+nightly
codegen_flags: <defaults>
</compile_context>

<pallas_src>
import functools

import jax
import jax.numpy as jnp
from jax import lax
from jax.experimental import pallas as pl
from jax.experimental.pallas import tpu as pltpu

_N = 10000
_E = 320000
_NPAD = 10240
_BR = 512
_BC = 1024


def _decode_body(mu_ref, muc_ref, out_ref):
    a = mu_ref[...]
    b = muc_ref[...]
    v = lax.dot_general(a, b, (((1,), (1,)), ((), ())),
                        preferred_element_type=jnp.float32)
    out_ref[...] = jax.nn.sigmoid(v)


def _decode(mu_pad):
    grid = (_NPAD // _BR, _NPAD // _BC)
    return pl.pallas_call(
        _decode_body,
        grid=grid,
        in_specs=[
            pl.BlockSpec((_BR, 16), lambda i, j: (i, 0)),
            pl.BlockSpec((_BC, 16), lambda i, j: (j, 0)),
        ],
        out_specs=pl.BlockSpec((_BR, _BC), lambda i, j: (i, j)),
        out_shape=jax.ShapeDtypeStruct((_N, _N), jnp.float32),
        compiler_params=pltpu.CompilerParams(
            dimension_semantics=("parallel", "parallel")),
    )(mu_pad, mu_pad)


def kernel(x, edge_index, W_gc1, b_gc1, Wm_root, Wm_nbr, bm, Wv_root, Wv_nbr, bv):
    n = x.shape[0]
    src = edge_index[0]
    dst = edge_index[1]

    deg = jnp.zeros((n,), x.dtype).at[dst].add(1.0) + 1.0
    dinv = lax.rsqrt(deg)
    h = x @ W_gc1
    g = h * dinv[:, None]
    agg1 = jnp.zeros((n, 64), x.dtype).at[dst].add(g[src])
    h1 = dinv[:, None] * (agg1 + g) + b_gc1
    agg2 = jnp.zeros((n, 64), x.dtype).at[dst].add(h1[src])
    Wr = jnp.concatenate([Wm_root, Wv_root], axis=1)
    Wn = jnp.concatenate([Wm_nbr, Wv_nbr], axis=1)
    bc = jnp.concatenate([bm, bv])
    out32 = h1 @ Wr + agg2 @ Wn + bc
    mu = out32[:, :16]
    logvar = out32[:, 16:]

    mu_pad = jnp.pad(mu, ((0, _NPAD - n), (0, 0)))
    adj = _decode(mu_pad)
    return (adj, mu, mu, logvar)

# --- scband reference (transcript-rebuilt; emitter-appended) ---
"""Pipeline reference for scband-vgae-3100966387958 (READ-ONLY COPY).

The authoritative reference and input builder live on the scoring server;
editing this copy changes nothing except your own understanding.
"""

import jax, jax.numpy as jnp
import numpy as np

N = 10000
E = 320000
D_IN = 128
H1 = 64
H2 = 16


def setup_inputs(seed: int = 0) -> dict:
    key = jax.random.key(seed)
    ks = jax.random.split(key, 12)
    x = jax.random.normal(ks[0], (N, D_IN), dtype=jnp.float32)
    edge_index = jax.random.randint(ks[1], (2, E), 0, N, dtype=jnp.int32)
    # GCNConv(input_feat_dim, hidden_dim1): weight + bias
    W_gc1 = jax.random.normal(ks[2], (D_IN, H1), dtype=jnp.float32) * (1.0 / np.sqrt(D_IN))
    b_gc1 = jnp.zeros((H1,), dtype=jnp.float32)
    # GraphConv(hidden_dim1, hidden_dim2) for mean: lin_root + lin_rel + bias
    Wm_root = jax.random.normal(ks[3], (H1, H2), dtype=jnp.float32) * (1.0 / np.sqrt(H1))
    Wm_nbr = jax.random.normal(ks[4], (H1, H2), dtype=jnp.float32) * (1.0 / np.sqrt(H1))
    bm = jnp.zeros((H2,), dtype=jnp.float32)
    # GraphConv(hidden_dim1, hidden_dim2) for logvar
    Wv_root = jax.random.normal(ks[5], (H1, H2), dtype=jnp.float32) * (1.0 / np.sqrt(H1))
    Wv_nbr = jax.random.normal(ks[6], (H1, H2), dtype=jnp.float32) * (1.0 / np.sqrt(H1))
    bv = jnp.zeros((H2,), dtype=jnp.float32)
    return {
        'x': x, 'edge_index': edge_index,
        'W_gc1': W_gc1, 'b_gc1': b_gc1,
        'Wm_root': Wm_root, 'Wm_nbr': Wm_nbr, 'bm': bm,
        'Wv_root': Wv_root, 'Wv_nbr': Wv_nbr, 'bv': bv,
    }


def _gcn_conv(x, src, dst, W, b, n):
    # PyG GCNConv: add self-loops, symmetric deg^{-1/2} normalization, sum aggregation
    loop = jnp.arange(n, dtype=src.dtype)
    s = jnp.concatenate([src, loop])
    d = jnp.concatenate([dst, loop])
    deg = jnp.zeros((n,), x.dtype).at[d].add(1.0)
    dinv = jnp.where(deg > 0, 1.0 / jnp.sqrt(deg), 0.0)
    norm = dinv[s] * dinv[d]
    h = x @ W
    out = jnp.zeros((n, W.shape[1]), x.dtype).at[d].add(h[s] * norm[:, None])
    return out + b


def _graph_conv(x, src, dst, W_root, W_nbr, b, n):
    # PyG GraphConv: out = lin_rel(sum_{j in N(i)} x_j) + lin_root(x_i)
    agg = jnp.zeros((n, x.shape[1]), x.dtype).at[dst].add(x[src])
    return x @ W_root + agg @ W_nbr + b


def reference(x, edge_index, W_gc1, b_gc1, Wm_root, Wm_nbr, bm, Wv_root, Wv_nbr, bv):
    n = x.shape[0]
    src = edge_index[0]
    dst = edge_index[1]
    h1 = _gcn_conv(x, src, dst, W_gc1, b_gc1, n)
    mu = _graph_conv(h1, src, dst, Wm_root, Wm_nbr, bm, n)
    logvar = _graph_conv(h1, src, dst, Wv_root, Wv_nbr, bv, n)
    # eval-mode reparameterize (deterministic): z = mu
    z = mu
    value = z @ z.T
    return (jax.nn.sigmoid(value), z, mu, logvar)

if __name__ == "__main__":
    import jax
    _d = setup_inputs()
    print(jax.jit(kernel)(*tuple(_d.values())))

</pallas_src>

<mosaic_0001>
module attributes {stable_mosaic.version = 14 : i64} {
  func.func @_decode_body(%arg0: i32, %arg1: i32, %arg2: memref<512x16xf32, #tpu.memory_space<vmem>>, %arg3: memref<1024x16xf32, #tpu.memory_space<vmem>>, %arg4: memref<512x1024xf32, #tpu.memory_space<vmem>>) attributes {dimension_semantics = [#tpu.dimension_semantics<parallel>, #tpu.dimension_semantics<parallel>], iteration_bounds = array<i64: 20, 10>, scalar_prefetch = 0 : i64, scratch_operands = 0 : i64, tpu.core_type = #tpu.core_type<tc>, window_params = [{transform_indices = @transform_0, window_bounds = array<i64: 512, 16>}, {transform_indices = @transform_1, window_bounds = array<i64: 1024, 16>}, {transform_indices = @transform_2, window_bounds = array<i64: 512, 1024>}]} {
    %get3A = arith.constant 0 : index
    %get3A_0 = arith.constant 0 : index
    %get3A_1 = vector.load %arg2[%get3A, %get3A_0] : memref<512x16xf32, #tpu.memory_space<vmem>>, vector<512x16xf32>
    %get3A_2 = arith.constant 0 : index
    %get3A_3 = arith.constant 0 : index
    %get3A_4 = vector.load %arg3[%get3A_2, %get3A_3] : memref<1024x16xf32, #tpu.memory_space<vmem>>, vector<1024x16xf32>
    %dot_general3A = arith.constant dense<0.000000e+00> : vector<512x1024xf32>
    %dot_general3A_5 = tpu.matmul %get3A_1, %get3A_4, %dot_general3A {dimension_numbers = #tpu.dot_dimension_numbers<[1], [1], [0], [0], [0, 0, 1, 0], [], []>, transpose_lhs_hint = false} : vector<512x16xf32>, vector<1024x16xf32>, vector<512x1024xf32> -> vector<512x1024xf32>
    %logistic3A = arith.negf %dot_general3A_5 : vector<512x1024xf32>
    %logistic3A_6 = math.exp %logistic3A : vector<512x1024xf32>
    %logistic3A_7 = arith.constant 1.000000e+00 : f32
    %logistic3A_8 = vector.broadcast %logistic3A_7 : f32 to vector<512x1024xf32>
    %logistic3A_9 = arith.addf %logistic3A_8, %logistic3A_6 : vector<512x1024xf32>
    %logistic3A_10 = arith.divf %logistic3A_8, %logistic3A_9 : vector<512x1024xf32>
    %swap3A = arith.constant 0 : index
    %swap3A_11 = arith.constant 0 : index
    %swap3A_12 = vector.load %arg4[%swap3A, %swap3A_11] : memref<512x1024xf32, #tpu.memory_space<vmem>>, vector<512x1024xf32>
    tpu.vector_store %arg4[%swap3A, %swap3A_11], %logistic3A_10 {strides = array<i32>} : memref<512x1024xf32, #tpu.memory_space<vmem>>, vector<512x1024xf32>,
    return
  }
  func.func @transform_0(%arg0: i32, %arg1: i32) -> (i32, i32) {
    %c0_i32 = arith.constant 0 : i32
    %c0_i32_0 = arith.constant 0 : i32
    return %arg0, %c0_i32 : i32, i32
  }
  func.func @transform_1(%arg0: i32, %arg1: i32) -> (i32, i32) {
    %c0_i32 = arith.constant 0 : i32
    %c0_i32_0 = arith.constant 0 : i32
    return %arg1, %c0_i32 : i32, i32
  }
  func.func @transform_2(%arg0: i32, %arg1: i32) -> (i32, i32) {
    %c0_i32 = arith.constant 0 : i32
    return %arg0, %arg1 : i32, i32
  }
}

</mosaic_0001>

<sc_bundles>
// kernel: scatter_offload_async_start.1
scs
__scs_entry_jumppad:
0x0: {  	(pc) =	sbr.rel $0x88, $3  }
0x1: {  	(tag) =	ssettag $0x0;
	lr =	simm.s32 $0x1  }
0x2: {  	[smem:$0x3F97] =	sst lr;
	_ =	strace $0xD0000000  }
0x3: {  	_ = 	snop  }
0x4: {  	_ = 	snop  }
0x5: {  	_ = 	snop  }
0x6: {  	_ = 	snop  }
0x7: {  	_ = 	snop  }
__scs_overlays_trampoline_lowered:
0x8: {  	[smem:$0x3FA6] =	sst s0  }
0x9: {  	[smem:$0x3FA7] =	sst s1  }
0xa: {  	[smem:$0x3FA8] =	sst s2  }
0xb: {  	[smem:$0x3FA9] =	sst s3  }
0xc: {  	[smem:$0x3FAA] =	sst s4  }
0xd: {  	[smem:$0x3FAB] =	sst s5  }
0xe: {  	[smem:$0x3FAC] =	sst s6  }
0xf: {  	[smem:$0x3FAD] =	sst s7  }
0x10: {  	[smem:$0x3FAE] =	sst s8  }
0x11: {  	[smem:$0x3FAF] =	sst s9;
	s0 =	simm.s32 @!p0 $0x0  }
0x12: {  	s1 =	sld [smem:$0x3F95];
	s0 =	simm.s32 @p0 $0x1  }
0x13: {  	[smem:$0x3FB0] =	sst s0;
	s0 =	simm.s32 @!p1 $0x0  }
0x14: {  	s2 =	sld [smem:$0x3F94];
	s0 =	simm.s32 @p1 $0x1  }
0x15: {  	[smem:$0x3FB1] =	sst s0;
	s0 =	simm.s32 @!p2 $0x0  }
0x16: {  	s3 =	sld [smem:$0x3FDB];
	s0 =	simm.s32 @p2 $0x1  }
0x17: {  	s4 =	simm.s32 $0x1BF5;
	[smem:$0x3FB3] =	sst s0  }
0x18: {  	s0 =	sld [smem:$0x3F96];
	_ =	swait.ge [sflag:s4], $0x0  }
0x19: {  	s7 =	sld [smem:$0x3F97]  }
0x1a: {  	s8 =	sadd.s32 $0xFFFFE003, lr  }
0x1b: {  	s9 =	sadd.s32 $0xFFFFFEF7, lr;
	s5 =	simm.s32 $0xFFFFFFFF;
	p2 =	slt.u32 s8, $0xFFFFF086  }
0x1c: {  	p1 =	slt.u32 s9, $0xF7A;
	s5 =	simm.s32 @!p2 $0x0  }
0x1d: {  	s5 =	simm.s32 @p1 $0x1;
	p0 =	seq.s32 s7, s2  }
0x1e: {  	s7 =	smul.u32 @!p0 $0xF7A, s2;
	p2 =	seq.s32 @!p0 s5, $0x0  }
0x1f: {  	s9 =	smul.u32 $0xF7A, s1;
	s8 =	simm.s32 @!p0 $0x1BF5;
	p2 =	por !p2, p0  }
0x20: {  	[sflag:s8] =	ssyncset.s32 @!p0 $0xFFFFF086;
	s6 =	sadd.s32 @!p0 s3, s7;
	s7 =	simm.s32 @!p0 $0x108  }
0x21: {  	s3 =	sadd.s32 s3, s9;
	s6 =	sadd.s32 @!p0 $0x88, s6;
	s7 =	simm.s32 @p2 $0x1082  }
0x22: {  	[simem:s7], [sflag:s8] =	dma.local @!p0 [hbm:s6], $0xF7A  }
0x23: {  	s9 =	sor.u32 $0xD0000000, s2;
	s6 =	simm.s32 $0x108;
	_ =	swait.ge @!p0 [sflag:s8], $0x0  }
0x24: {  	s3 =	sadd.s32 $0x88, s3;
	s6 =	simm.s32 @!p1 $0x1082;
	[sflag:s4] =	ssyncset.s32 $0xFFFFF086  }
0x25: {  	[simem:s6], [sflag:s4] =	dma.local [hbm:s3], $0xF7A  }
0x26: {  	[smem:$0x3F97] =	sst s1;
	(tag) =	ssettag s2;
	_ =	strace s9  }
0x27: {  	s1 =	sld [smem:$0x3FA7]  }
0x28: {  	s2 =	sld [smem:$0x3FA8]  }
0x29: {  	s4 =	sld [smem:$0x3FAA]  }
0x2a: {  	p0 =	seq.s32 s5, $0x0;
	s5 =	sld [smem:$0x3FAB]  }
0x2b: {  	s6 =	sld [smem:$0x3FAC]  }
0x2c: {  	s7 =	sld [smem:$0x3FAD]  }
0x2d: {  	s3 =	simm.s32 $0x108;
	s8 =	sld [smem:$0x3FAE]  }
0x2e: {  	s3 =	simm.s32 @!p0 $0x1082;
	s9 =	sld [smem:$0x3FAF]  }
0x2f: {  	lr =	sadd.s32 s0, s3;
	s0 =	sld [smem:$0x3FA6]  }
0x30: {  	s3 =	sld [smem:$0x3FA9]  }
0x31: {  	[smem:$0x3FB2] =	sst s10  }
0x32: {  	s10 =	sld [smem:$0x3FB0];
	_ =	sdelay $0x3  }
0x33: {  	p0 =	seq.s32 s10, $0x1;
	s10 =	sld [smem:$0x3FB2];
	_ =	sdelay $0x3  }
0x34: {  	[smem:$0x3FB2] =	sst s10  }
0x35: {  	s10 =	sld [smem:$0x3FB1];
	_ =	sdelay $0x3  }
0x36: {  	p1 =	seq.s32 s10, $0x1;
	s10 =	sld [smem:$0x3FB2];
	_ =	sdelay $0x3  }
0x37: {  	[smem:$0x3FB2] =	sst s10  }
0x38: {  	s10 =	sld [smem:$0x3FB3]  }
0x39: {  	_ = 	snop;
	(pc) =	sbr.ind lr, $3  }
0x3a: {  	_ = 	snop  }
0x3b: {  	_ = 	snop  }
0x3c: {  	p2 =	seq.s32 s10, $0x1;
	s10 =	sld [smem:$0x3FB2]  }
0x3d: {  	_ =	shalt  }
0x3e: {  	_ =	shalt  }
0x3f: {  	_ =	shalt  }
0x40: {  	_ =	shalt  }
0x41: {  	_ =	shalt  }
0x42: {  	_ =	shalt  }
0x43: {  	_ =	shalt  }
0x44: {  	_ =	shalt  }
0x45: {  	_ =	shalt  }
0x46: {  	_ =	shalt  }
0x47: {  	_ =	shalt  }
0x48: {  	_ =	shalt  }
0x49: {  	_ =	shalt  }
0x4a: {  	_ =	shalt  }
0x4b: {  	_ =	shalt  }
0x4c: {  	_ =	shalt  }
0x4d: {  	_ =	shalt  }
0x4e: {  	_ =	shalt  }
0x4f: {  	_ =	shalt  }
0x50: {  	_ =	shalt  }
0x51: {  	_ =	shalt  }
0x52: {  	_ =	shalt  }
0x53: {  	_ =	shalt  }
0x54: {  	_ =	shalt  }
0x55: {  	_ =	shalt  }
0x56: {  	_ =	shalt  }
0x57: {  	_ =	shalt  }
0x58: {  	_ =	shalt  }
0x59: {  	_ =	shalt  }
0x5a: {  	_ =	shalt  }
0x5b: {  	_ =	shalt  }
0x5c: {  	_ =	shalt  }
0x5d: {  	_ =	shalt  }
0x5e: {  	_ =	shalt  }
0x5f: {  	_ =	shalt  }
0x60: {  	_ =	shalt  }
0x61: {  	_ =	shalt  }
0x62: {  	_ =	shalt  }
0x63: {  	_ =	shalt  }
0x64: {  	_ =	shalt  }
0x65: {  	_ =	shalt  }
0x66: {  	_ =	shalt  }
0x67: {  	_ =	shalt  }
0x68: {  	_ =	shalt  }
0x69: {  	_ =	shalt  }
0x6a: {  	_ =	shalt  }
0x6b: {  	_ =	shalt  }
0x6c: {  	_ =	shalt  }
0x6d: {  	_ =	shalt  }
0x6e: {  	_ =	shalt  }
0x6f: {  	_ =	shalt  }
0x70: {  	_ =	shalt  }
0x71: {  	_ =	shalt  }
0x72: {  	_ =	shalt  }
0x73: {  	_ =	shalt  }
0x74: {  	_ =	shalt  }
0x75: {  	_ =	shalt  }
0x76: {  	_ =	shalt  }
0x77: {  	_ =	shalt  }
0x78: {  	_ =	shalt  }
0x79: {  	_ =	shalt  }
0x7a: {  	_ =	shalt  }
0x7b: {  	_ =	shalt  }
0x7c: {  	_ =	shalt  }
0x7d: {  	_ =	shalt  }
0x7e: {  	_ =	shalt  }
0x7f: {  	_ =	shalt  }
0x80: {  	_ =	shalt  }
0x81: {  	_ =	shalt  }
0x82: {  	_ =	shalt  }
0x83: {  	_ =	shalt  }
0x84: {  	_ =	shalt  }
0x85: {  	_ =	shalt  }
0x86: {  	_ =	shalt  }
0x87: {  	_ =	shalt  }
.Lfunc_end0:
.L_simem_size_0:
called_computation.1_lowered:
.L_overlay_start_0:
0x88: {  	s2 =	sld [smem:$0x3FD9]  }
0x89: {  	s3 =	sld [smem:$0x3FFE];
	_ =	sdelay $0x1  }
0x8a: {  	s1 =	srdreg.scid  }
0x8b: {  	s0 =	sand.u32 $0x1, s1  }
0x8c: {  	s13 =	sshll.u32 s0, $0xA;
	s2 =	sadd.s32 s3, s2  }
0x8d: {  	s2 =	sadd.s32 s2, s13  }
0x8e: {  	[smem:$0x3FBE] =	sst s2  }
0x8f: {  	_ = 	snop  }
0x90: {  	s2 =	sld [smem:$0x3FD0];
	_ =	sdelay $0x2  }
0x91: {  	s14 =	simm.s32 $0xA;
	s4 =	simm.s32 $0x10  }
0x92: {  	[smem:s4], [sflag:s14] =	dma.local [hbm:s2], $0x1  }
0x93: {  	_ =	swait.eq [sflag:s14], $0x1  }
0x94: {  	[sflag:s14] =	ssyncset.done $0x0  }
0x95: {  	[sflag:s14] =	ssyncadd.s32 $0xFFFFFFFF  }
0x96: {  	s15 =	sld [smem:$0x10];
	(tm) =	ssettm $0x1  }
0x97: {  	s16 =	sld [smem:$0x3FFB];
	_ =	sdelay $0x3  }
0x98: {  	_ =	strace s16  }
0x99: {  	s3 =	sld [smem:$0x3FFC];
	_ =	sdelay $0x3  }
0x9a: {  	_ =	strace s3  }
0x9b: {  	s3 =	sld [smem:$0x3FFD];
	_ =	sdelay $0x3  }
0x9c: {  	_ =	strace s3  }
0x9d: {  	_ =	strace $0x8FFFFFFF  }
0x9e: {  	s17 =	sld [smem:$0x3FDB];
	_ =	sdelay $0x1  }
0x9f: {  	s18 =	simm.s32 $_scs_section_size  }
0xa0: {  	s5 =	simm.s32 $_size__tile_overlayer_lowered;
	s6 =	simm.s32 $_tile_overlayer_lowered  }
0xa1: {  	s21 =	simm.s32 $0x1BFF;
	s20 =	sshll.u32 s6, $0x1;
	s3 =	sadd.s32 s18, s17  }
0xa2: {  	s7 =	simm.s32 $0x0;
	s19 =	sshll.u32 s5, $0x1;
	s5 =	sadd.s32 s20, s3  }
0xa3: {  	[timem:s7], [sflag:s21] =	dma.local [hbm:s5], s19  }
0xa4: {  	_ =	swait.ge [sflag:s21], s19  }
0xa5: {  	s4 =	ssub.s32 $0x0, s19;
	[sflag:s21] =	ssyncset.done $0x0  }
0xa6: {  	[sflag:s21] =	ssyncadd.s32 s4;
	_ =	sdelay $0x1  }
0xa7: {  	s22 =	simm.s32 $0x1B8B  }
0xa8: {  	_ =	swait.ge [sflag:s22], $0x1  }
0xa9: {  	[sflag:s22] =	ssyncset.done $0x0  }
0xaa: {  	s23 =	sld [smem:$0x3FFE];
	[sflag:s22] =	ssyncadd.s32 $0xFFFFFFFF  }
0xab: {  	s25 =	simm.s32 $0x1B8E;
	s24 =	sld [smem:$0x0]  }
0xac: {  	s26 =	simm.s32 $execute0_lowered;
	[smem:$0x3FD2] =	sst s25  }
0xad: {  	s6 =	sshll.u32 s26, $0x1;
	_ =	strace $0x80000049;
	[dreg:$0x1] =	wrdreg $0xFFFFFFFF  }
0xae: {  	s28 =	simm.s32 $_size_execute0_lowered;
	s3 =	sadd.s32 s3, s6;
	[dreg:$0x0] =	wrdreg $0x0  }
0xaf: {  	s6 =	sshll.u32 s28, $0x1;
	[dreg:$0x2] =	wrdreg s3  }
0xb0: {  	[dreg:$0x3] =	wrdreg s6  }
0xb1: {  	[dreg:$0x4] =	wrdreg $0xC0  }
0xb2: {  	_ =	task [dreg:s7], $0x5FFFF  }
0xb3: {  	[dreg:$0x1] =	wrdreg $0xFFFFFFFF  }
0xb4: {  	[dreg:$0x0] =	wrdreg $0x60  }
0xb5: {  	[dreg:$0x2] =	wrdreg s23  }
0xb6: {  	[dreg:$0x3] =	wrdreg s15  }
0xb7: {  	[dreg:$0x4] =	wrdreg s1  }
0xb8: {  	[dreg:$0x5] =	wrdreg s24  }
0xb9: {  	[dreg:$0x6] =	wrdreg $0x9  }
0xba: {  	_ =	task.clear_ibuf [dreg:s7], $0x7FFFF;
	_ =	strace $0x90000049  }
0xbb: {  	s29 =	simm.s32 $0x9;
	_ =	strace $0x8000004B  }
0xbc: {  	_ =	swait.ge [sflag:s29], $0x1  }
0xbd: {  	[sflag:s29] =	ssyncadd.s32 $0xFFFFFFFF  }
0xbe: {  	_ =	strace $0x9000004B  }
0xbf: {  	_ =	sfence  }
0xc0: {  	s30 =	sld [smem:$0x0];
	_ =	sdelay $0x2  }
0xc1: {  	s31 =	sshll.u32 s1, $0xD;
	s1 =	sshrl.u32 s1, $0x2  }
0xc2: {  	s3 =	sand.u32 $0x4000, s31;
	s1 =	sadd.s32 s1, s30  }
0xc3: {  	s0 =	sor.u32 s3, s0;
	s1 =	sshll.u32 s1, $0x11  }
0xc4: {  	s0 =	sor.u32 s1, s0  }
0xc5: {  	s0 =	sadd.s32 $0x8F2B, s0  }
0xc6: {  	[sflag:s0] =	ssyncadd.remote.s32 $0x1  }
0xc7: {  	_ =	sfence.sel $0xFFFF  }
0xc8: {  	[dreg:$0x0] =	wrdreg $0xFFFFFFFF;
	(pc) =	sbr.abs _section_cstart, $3  }
0xc9: {  	[dreg:$0x1] =	wrdreg $0xFFFFFFFF  }
0xca: {  	_ =	task.clear_ibuf [dreg:s7], $0x2FFFF;
	_ =	strace $0x9FFFFFFF  }
0xcb: {  	(tm) =	ssettm $0x7FFFFFFF  }
tec
execute0_lowered:
.L_overlay_start_1:
0x0: {  	(tag) =	ssettag $0x1  }
0x1: {  	s2 =	rddreg [dreg:$0x0]  }
0x2: {  	s6 =	rddreg [dreg:$0x1]  }
0x3: {  	s4 =	rddreg [dreg:$0x2];
	_ =	strace $0x8000004A;
	s0 =	simm.s32 $0x1  }
0x4: {  	s3 =	simm.s32 $0x88;
	v0 =	vimm.s32 $0x0;
	[sflag:s0] =	ssyncpa.u1 $0x0  }
0x5: {  	[tilespmem:s3+$0x30] =	vst v0  }
0x6: {  	s1 =	sadd.s32 $0x31C00, s2;
	s0 =	sadd.s32 $0x1E000, s2;
	[tilespmem:s3+$0x20] =	vst v0  }
0x7: {  	s2 =	sadd.s32 $0x27E00, s2;
	s7 =	sand.u32 $0x1, s4;
	s4 =	simm.s32 $0x40;
	[tilespmem:s3+$0x10] =	vst v0  }
.LBB2_1:
0x8: {  	s4 =	sadd.s32 $0x40, s4  }
0x9: {  	[tilespmem:s3+$0x0] =	vst v0;
	s3 =	sadd.s32 $0x40, s3;
	p0 =	slt.u32 s4, $0x5040  }
.Ltmp0:
0xa: {  	(pc) =	sbr.rel @p0 .LBB2_1-.Ltmp0, $4  }
0xb: {  	_ = 	snop  }
0xc: {  	[tilespmem:s3+$0x30] =	vst v0  }
0xd: {  	[tilespmem:s3+$0x20] =	vst v0  }
0xe: {  	[tilespmem:s3+$0x10] =	vst v0  }
0xf: {  	s8 =	stileid.u32  }
0x10: {  	s4 =	smul.u32 $0x1F, s8  }
0x11: {  	s5 =	smin.u32 s8, $0x4  }
0x12: {  	s4 =	sadd.s32 s5, s4  }
0x13: {  	p0 =	slt.u32 s8, $0x4;
	s12 =	smul.u32 $0x140, s4;
	s4 =	simm.s32 $0x2800  }
0x14: {  	s4 =	simm.s32 @!p0 $0x26C0  }
0x15: {  	s25 =	simm.s32 $0x2;
	s4 =	sadd.s32 s4, s12  }
0x16: {  	s28 =	simm.s32 $0x9;
	s9 =	simm.s32 $0xA;
	s14 =	smin.u32 s4, $0x27100  }
0x17: {  	s30 =	simm.s32 $0xB;
	[dreg:$0x5] =	wrdreg s7;
	s4 =	ssub.s32 s14, s12  }
0x18: {  	s31 =	smul.u32 $0x4E20, s7;
	s13 =	simm.s32 $0x1;
	p0 =	sgt.s32 s4, $0x0  }
0x19: {  	s19 =	simm.s32 $0x0;
	s20 =	simm.s32 $0xA808;
	s4 =	simm.s32 @!p0 $0x0  }
0x1a: {  	s21 =	simm.s32 $0xFFFFFFFF;
	p1 =	por $0x0, $0x0;
	s26 =	smulhi.u32 $0x66666667, s4  }
0x1b: {  	[tilespmem:s3+$0x0] =	vst v0;
	s23 =	simm.s32 $0x0;
	[sflag:s25] =	ssyncpa.u1 $0x0;
	s18 =	sshll.u32 s8, $0x7  }
0x1c: {  	s0 =	sadd.s32 s31, s0;
	[dreg:$0xb] =	wrdreg s18;
	s3 =	sshrl.u32 s26, $0x7  }
0x1d: {  	v0 =	vimm.s32 $0xFFFFFFFF;
	s17 =	sadd.s32 s31, s2;
	[dreg:$0xa] =	wrdreg s0;
	s29 =	smul.u32 $0x140, s3  }
0x1e: {  	s25 =	simm.s32 $0x0;
	[tilespmem:$0xA108] =	vst v0;
	[sflag:s28] =	ssyncpa.u1 $0x0;
	[dreg:$0x9] =	wrdreg s17  }
.Ltmp1:
0x1f: {  	p0 =	sne.s32 s4, s29;
	s4 =	simm.s32 $0x1;
	(pc) =	sbr.rel .LBB2_3-.Ltmp1, $4  }
0x20: {  	[sflag:s9] =	ssyncpa.u1 $0x0;
	[dreg:$0x6] =	wrdreg s12;
	s4 =	simm.s32 @!p0 $0x0  }
0x21: {  	[sflag:s30] =	ssyncpa.u1 $0x0;
	[dreg:$0x7] =	wrdreg s14;
	s15 =	sadd.s32 s4, s3  }
0x22: {  	s24 =	smov.u32 s12;
	s22 =	sadd.s32 $0x1, s15;
	[dreg:$0x8] =	wrdreg s15  }
0x23: {  	v0 =	vlaneseq.u32;
	s26 =	simm.s32 $0x0;
	p0 =	por $0x1, $0x1;
	[dreg:$0xc] =	wrdreg s22  }
.LBB2_22:
0x24: {  	s0 =	sshrl.u32 s3, $0x2  }
.LBB2_24:
0x25: {  	s3 =	simm.s32 $0xC  }
0x26: {  	_ =	swait.ge [sflag:s3], s0  }
0x27: {  	s31 =	ssub.s32 $0x0, s0;
	v1 =	vmov s4;
	vm0 =	veq.s32 v0, $0x0;
	[sflag:s3] =	ssyncset.done $0x0  }
0x28: {  	vm15 =	veq.s32 v0, $0x2;
	v1 =	vsel vm0, s2, v1;
	[sflag:s3] =	ssyncadd.s32 s31  }
0x29: {  	v1 =	vsel vm15, s26, v1;
	[sflag:s3] =	ssyncpa.u1 $0x1  }
0x2a: {  	[tilespmem:$0xA108] =	vst v1  }
.LBB2_25:
0x2b: {  	s0 =	sadd.s32 $0x140, s24  }
0x2c: {  	s2 =	smov.u32 s12;
	p2 =	slt.s32 s0, s14  }
0x2d: {  	s2 =	smov.u32 @p2 s0;
	p2 =	sne.s32 s25, s22  }
.Ltmp2:
0x2e: {  	_ = 	snop;
	(pc) =	sbr.rel @!p2 .LBB2_26-.Ltmp2, $4  }
0x2f: {  	_ = 	snop  }
0x30: {  	s26 =	smov.u32 s23;
	s31 =	sadd.s32 $0x1, s25;
	p0 =	por !p0, !p0  }
0x31: {  	s23 =	smov.u32 s24;
	s20 =	sadd.s32 $0x140, s20;
	s21 =	sadd.s32 $0x1, s21  }
0x32: {  	p1 =	por !p1, !p1;
	s25 =	smov.u32 s31;
	s24 =	smov.u32 s2  }
.LBB2_3:
0x33: {  	p2 =	sge.u32 s25, s15  }
0x34: {  	s0 =	smulhi.u32 @!p2 $0xAAAAAAAB, s25  }
0x35: {  	s2 =	smov.u32 s24;
	p3 =	sgt.s32 @!p2 s24, $0x26FC0  }
0x36: {  	s3 =	sshra.s32 @!p2 s24, $0x1F;
	p3 =	por !p3, p2;
	s0 =	sshrl.u32 @!p2 s0, $0x1  }
0x37: {  	s3 =	sand.u32 @!p2 s3, s24;
	s2 =	simm.s32 @p3 $0x26FC0;
	s0 =	smul.u32 @!p2 $0x3, s0  }
0x38: {  	s2 =	ssub.s32 @!p2 s2, s3  }
0x39: {  	s2 =	sadd.s32 @!p2 $0xFFFD9040, s2;
	s0 =	ssub.s32 @!p2 s25, s0  }
0x3a: {  	s3 =	sshll.u32 @!p2 s2, $0x2;
	p3 =	sgt.s32 @!p2 s2, $0x13F;
	s0 =	smul.u32 @!p2 $0x500, s0  }
0x3b: {  	s4 =	sand.u32 @!p2 $0x7, s24;
	s2 =	ssub.s32 @!p2 $0x500, s3;
	p3 =	por !p3, p2  }
0x3c: {  	s3 =	sshrl.u32 @!p2 s24, $0x3;
	s2 =	sshrl.u32 @!p2 s2, $0x2;
	s0 =	sshrl.u32 @!p2 s0, $0x2  }
0x3d: {  	s3 =	sadd.s32 @!p2 s3, s17;
	s2 =	simm.s32 @!p3 $0x0;
	s0 =	sadd.s32 @!p2 $0xA948, s0  }
0x3e: {  	[tilespmem:s0], [sflag:$0xA] =	stream.linear.gather @!p2 [hbm4b:s3+s4], s2, $0x38;
	[tilespmem:$0x1EF88] =	vst v63  }
0x3f: {  	s0 =	sadd.s32 $0xFFFFFFFF, s25  }
0x40: {  	p2 =	sge.u32 s0, s15  }
.Ltmp3:
0x41: {  	_ = 	snop;
	(pc) =	sbr.rel @p2 .LBB2_7-.Ltmp3, $1  }
0x42: {  	_ =	sdelay $0x3  }
0x43: {  	p2 =	sgt.s32 s23, $0x26FC0;
	s2 =	smov.u32 s23;
	s3 =	sshra.s32 s23, $0x1F  }
0x44: {  	s2 =	simm.s32 @!p2 $0x26FC0;
	s3 =	sand.u32 s3, s23  }
0x45: {  	s17 =	smulhi.u32 $0xAAAAAAAB, s21;
	s2 =	ssub.s32 s2, s3  }
0x46: {  	s0 =	sand.u32 $0x1, s0;
	s2 =	sadd.s32 $0xFFFD9040, s2  }
0x47: {  	s5 =	simm.s32 $0xA;
	s3 =	sshrl.u32 s17, $0x1;
	s4 =	sshll.u32 s2, $0x2  }
0x48: {  	s7 =	sshrl.u32 s23, $0x3;
	s3 =	smul.u32 $0xFFFFF100, s3;
	s4 =	ssub.s32 $0x500, s4  }
0x49: {  	s18 =	smul.u32 $0x500, s0;
	p2 =	sgt.s32 s2, $0x13F;
	s2 =	sshrl.u32 s4, $0x2  }
0x4a: {  	s9 =	sand.u32 $0x7, s23;
	s3 =	sshra.s32 s3, $0x2;
	s2 =	simm.s32 @p2 $0x0  }
0x4b: {  	s0 =	sadd.s32 s3, s20;
	s4 =	sshrl.u32 s18, $0x2;
	_ =	swait.ge [sflag:s5], s2  }
0x4c: {  	s22 =	ssub.s32 $0x0, s2;
	[sflag:s5] =	ssyncset.done $0x0;
	s8 =	rddreg [dreg:$0xa]  }
0x4d: {  	s4 =	sadd.s32 $0xAD08, s4;
	[sflag:s5] =	ssyncadd.s32 s22;
	s3 =	sadd.s32 s7, s8  }
0x4e: {  	[tilespmem:s4], [sflag:$0xB] =	stream.linear.gather [hbm4b:s3+s9], s2, $0x38;
	[tilespmem:$0x1EF88] =	vst v63  }
0x4f: {  	v1 =	vld.msk [tilespmem:s0+$0x0], $0xffff;
	_ =	sdelay $0x4  }
0x50: {  	v1 =	vshll.u32 v1, $0x4  }
0x51: {  	(v2sf) =	vpush v1, $0x0  }
0x52: {  	(v2sf) =	vpush v1, $0x1  }
0x53: {  	(v2sf) =	vpush v1, $0x2;
	_ =	sdelay $0x3  }
0x54: {  	(v2sf) =	vpush v1, $0x3;
	_ =	sdelay $0x1  }
0x55: {  	(v2sf) =	vpush v1, $0x4  }
0x56: {  	s2 =	simm.s32 $0x1;
	(v2sf) =	vpush v1, $0x5  }
0x57: {  	s2 =	simm.s32 @!p0 $0x0  }
0x58: {  	s2 =	smul.u32 $0x28000, s2;
	(v2sf) =	vpush v1, $0x6;
	_ =	sdelay $0x1  }
0x59: {  	s2 =	sshrl.u32 s2, $0x2  }
0x5a: {  	s28 =	sadd.s32 $0xB708, s2  }
0x5b: {  	s12 =	sadd.s32 $0xFFFFF880, s28;
	s17 =	sadd.s32 $0xFFFFF900, s28;
	s10 =	spop (v2sf);
	(v2sf) =	vpush v1, $0x7  }
0x5c: {  	s18 =	sadd.s32 $0xFFFFF980, s28;
	s11 =	sand.u32 $0x1FFFFFF0, s10;
	s14 =	spop (v2sf)  }
0x5d: {  	(v2sf) =	vpush v1, $0x8;
	s2 =	sadd.s32 s6, s11;
	s15 =	sand.u32 $0x1FFFFFF0, s14;
	s16 =	spop (v2sf)  }
0x5e: {  	[tilespmem:s12], [sflag:$0x9] =	stream.linear.gather [hbm4b:s2+s19], $0x40, $0x38;
	[tilespmem:$0x1EF88] =	vst v63  }
0x5f: {  	s5 =	sadd.s32 $0xFFFFFA00, s28;
	s2 =	sadd.s32 s6, s15;
	s3 =	sand.u32 $0x1FFFFFF0, s16  }
0x60: {  	(v2sf) =	vpush v1, $0x9;
	[tilespmem:s17], [sflag:$0x9] =	stream.linear.gather [hbm4b:s2+s19], $0x40, $0x38;
	[tilespmem:$0x1EF88] =	vst v63  }
0x61: {  	s7 =	sadd.s32 $0xFFFFFA80, s28;
	s22 =	spop (v2sf);
	s3 =	sadd.s32 s6, s3  }
0x62: {  	(v2sf) =	vpush v1, $0xA;
	[tilespmem:s18], [sflag:$0x9] =	stream.linear.gather [hbm4b:s3+s19], $0x40, $0x38;
	[tilespmem:$0x1EF88] =	vst v63  }
0x63: {  	s11 =	sadd.s32 $0xFFFFFB00, s28;
	s4 =	spop (v2sf);
	(v2sf) =	vpush v1, $0xB;
	s3 =	sand.u32 $0x1FFFFFF0, s22  }
0x64: {  	s8 =	spop (v2sf);
	s2 =	sadd.s32 s6, s3;
	s3 =	sand.u32 $0x1FFFFFF0, s4  }
0x65: {  	(v2sf) =	vpush v1, $0xC;
	[tilespmem:s5], [sflag:$0x9] =	stream.linear.gather [hbm4b:s2+s19], $0x40, $0x38;
	[tilespmem:$0x1EF88] =	vst v63  }
0x66: {  	s9 =	sand.u32 $0x1FFFFFF0, s8;
	s10 =	spop (v2sf);
	s3 =	sadd.s32 s6, s3  }
0x67: {  	(v2sf) =	vpush v1, $0xD;
	[tilespmem:s7], [sflag:$0x9] =	stream.linear.gather [hbm4b:s3+s19], $0x40, $0x38;
	[tilespmem:$0x1EF88] =	vst v63  }
0x68: {  	s12 =	sadd.s32 $0xFFFFFB80, s28;
	s2 =	sadd.s32 s6, s9;
	s3 =	sand.u32 $0x1FFFFFF0, s10  }
0x69: {  	[tilespmem:s11], [sflag:$0x9] =	stream.linear.gather [hbm4b:s2+s19], $0x40, $0x38;
	[tilespmem:$0x1EF88] =	vst v63  }
0x6a: {  	s17 =	sadd.s32 $0xFFFFFC00, s28;
	s3 =	sadd.s32 s6, s3;
	s14 =	spop (v2sf)  }
0x6b: {  	[tilespmem:s12], [sflag:$0x9] =	stream.linear.gather [hbm4b:s3+s19], $0x40, $0x38;
	(v2sf) =	vpush v1, $0xE;
	[tilespmem:$0x1EF88] =	vst v63  }
0x6c: {  	s18 =	sadd.s32 $0xFFFFFC80, s28;
	s15 =	sand.u32 $0x1FFFFFF0, s14;
	s16 =	spop (v2sf)  }
0x6d: {  	s5 =	sadd.s32 $0xFFFFFD00, s28;
	(v2sf) =	vpush v1, $0xF;
	s2 =	sadd.s32 s6, s15;
	s3 =	sand.u32 $0x1FFFFFF0, s16  }
0x6e: {  	[tilespmem:s17], [sflag:$0x9] =	stream.linear.gather [hbm4b:s2+s19], $0x40, $0x38;
	[tilespmem:$0x1EF88] =	vst v63  }
0x6f: {  	s7 =	sadd.s32 $0xFFFFFD80, s28;
	s22 =	spop (v2sf);
	s3 =	sadd.s32 s6, s3  }
0x70: {  	[tilespmem:s18], [sflag:$0x9] =	stream.linear.gather [hbm4b:s3+s19], $0x40, $0x38;
	[tilespmem:$0x1EF88] =	vst v63  }
0x71: {  	s11 =	sadd.s32 $0xFFFFFE00, s28;
	s4 =	spop (v2sf);
	s3 =	sand.u32 $0x1FFFFFF0, s22  }
0x72: {  	s8 =	spop (v2sf);
	s2 =	sadd.s32 s6, s3;
	s3 =	sand.u32 $0x1FFFFFF0, s4  }
0x73: {  	[tilespmem:s5], [sflag:$0x9] =	stream.linear.gather [hbm4b:s2+s19], $0x40, $0x38;
	[tilespmem:$0x1EF88] =	vst v63  }
0x74: {  	s9 =	sand.u32 $0x1FFFFFF0, s8;
	s10 =	spop (v2sf);
	s3 =	sadd.s32 s6, s3  }
0x75: {  	[tilespmem:s7], [sflag:$0x9] =	stream.linear.gather [hbm4b:s3+s19], $0x40, $0x38;
	[tilespmem:$0x1EF88] =	vst v63  }
0x76: {  	s14 =	spop (v2sf);
	s2 =	sadd.s32 s6, s9;
	s3 =	sand.u32 $0x1FFFFFF0, s10  }
0x77: {  	[tilespmem:s11], [sflag:$0x9] =	stream.linear.gather [hbm4b:s2+s19], $0x40, $0x38;
	[tilespmem:$0x1EF88] =	vst v63  }
0x78: {  	s12 =	sadd.s32 $0xFFFFFE80, s28;
	s15 =	sand.u32 $0x1FFFFFF0, s14;
	s3 =	sadd.s32 s6, s3  }
0x79: {  	[tilespmem:s12], [sflag:$0x9] =	stream.linear.gather [hbm4b:s3+s19], $0x40, $0x38;
	[tilespmem:$0x1EF88] =	vst v63  }
0x7a: {  	s17 =	sadd.s32 $0xFFFFFF00, s28;
	s2 =	sadd.s32 s6, s15;
	s16 =	spop (v2sf)  }
0x7b: {  	[tilespmem:s17], [sflag:$0x9] =	stream.linear.gather [hbm4b:s2+s19], $0x40, $0x38;
	[tilespmem:$0x1EF88] =	vst v63  }
0x7c: {  	s29 =	simm.s32 $0x0;
	s3 =	sand.u32 $0x1FFFFFF0, s16;
	s18 =	spop (v2sf)  }
0x7d: {  	s22 =	sadd.s32 $0xFFFFFF80, s28;
	s3 =	sadd.s32 s6, s3;
	s2 =	sand.u32 $0x1FFFFFF0, s18  }
0x7e: {  	[tilespmem:s22], [sflag:$0x9] =	stream.linear.gather [hbm4b:s3+s19], $0x40, $0x38;
	[tilespmem:$0x1EF88] =	vst v63  }
0x7f: {  	s31 =	sadd.s32 $0x10, s0;
	s30 =	sadd.s32 $0x800, s28;
	s2 =	sadd.s32 s6, s2  }
.LBB2_5:
0x80: {  	[tilespmem:s28], [sflag:$0x9] =	stream.linear.gather [hbm4b:s2+s19], $0x40, $0x38;
	[tilespmem:$0x1EF88] =	vst v63  }
0x81: {  	s29 =	sadd.s32 $0x10, s29;
	s28 =	smov.u32 s30  }
0x82: {  	p2 =	slt.u32 s29, $0x130;
	v1 =	vld.msk [tilespmem:s31+$0x0], $0xffff;
	_ =	sdelay $0x4  }
0x83: {  	v1 =	vshll.u32 v1, $0x4  }
0x84: {  	(v2sf) =	vpush v1, $0x0  }
0x85: {  	(v2sf) =	vpush v1, $0x1  }
0x86: {  	(v2sf) =	vpush v1, $0x2;
	_ =	sdelay $0x1  }
0x87: {  	(v2sf) =	vpush v1, $0x3;
	_ =	sdelay $0x1  }
0x88: {  	(v2sf) =	vpush v1, $0x4;
	_ =	sdelay $0x1  }
0x89: {  	(v2sf) =	vpush v1, $0x5;
	_ =	sdelay $0x1  }
0x8a: {  	(v2sf) =	vpush v1, $0x6  }
0x8b: {  	s4 =	sadd.s32 $0xFFFFFE80, s30;
	s0 =	sadd.s32 $0xFFFFFF00, s30  }
0x8c: {  	s3 =	sadd.s32 $0xFFFFFD00, s30;
	s2 =	sadd.s32 $0xFFFFFD80, s30;
	s5 =	sadd.s32 $0xFFFFFE00, s30;
	(v2sf) =	vpush v1, $0x7  }
0x8d: {  	s10 =	sadd.s32 $0xFFFFFB80, s30;
	s9 =	sadd.s32 $0xFFFFFC00, s30;
	s16 =	sadd.s32 $0xFFFFFC80, s30  }
0x8e: {  	s11 =	sadd.s32 $0xFFFFFA00, s30;
	s12 =	sadd.s32 $0xFFFFFA80, s30;
	s15 =	sadd.s32 $0xFFFFFB00, s30;
	(v2sf) =	vpush v1, $0x8  }
0x8f: {  	s18 =	sadd.s32 $0xFFFFF900, s30;
	s7 =	sadd.s32 $0xFFFFF980, s30;
	s22 =	spop (v2sf)  }
0x90: {  	s8 =	sadd.s32 $0xFFFFF880, s30;
	s22 =	sand.u32 $0x1FFFFFF0, s22;
	s14 =	spop (v2sf);
	(v2sf) =	vpush v1, $0x9  }
0x91: {  	s22 =	sadd.s32 s6, s22;
	s14 =	sand.u32 $0x1FFFFFF0, s14;
	s17 =	spop (v2sf)  }
0x92: {  	[tilespmem:s8], [sflag:$0x9] =	stream.linear.gather [hbm4b:s22+s19], $0x40, $0x38;
	(v2sf) =	vpush v1, $0xA;
	[tilespmem:$0x1EF88] =	vst v63  }
0x93: {  	s8 =	sadd.s32 s6, s14;
	s14 =	sand.u32 $0x1FFFFFF0, s17;
	s17 =	spop (v2sf)  }
0x94: {  	[tilespmem:s18], [sflag:$0x9] =	stream.linear.gather [hbm4b:s8+s19], $0x40, $0x38;
	(v2sf) =	vpush v1, $0xB;
	[tilespmem:$0x1EF88] =	vst v63  }
0x95: {  	s8 =	sadd.s32 s6, s14;
	s14 =	sand.u32 $0x1FFFFFF0, s17;
	s17 =	spop (v2sf)  }
0x96: {  	[tilespmem:s7], [sflag:$0x9] =	stream.linear.gather [hbm4b:s8+s19], $0x40, $0x38;
	(v2sf) =	vpush v1, $0xC;
	[tilespmem:$0x1EF88] =	vst v63  }
0x97: {  	s7 =	sadd.s32 s6, s14;
	s8 =	sand.u32 $0x1FFFFFF0, s17;
	s14 =	spop (v2sf)  }
0x98: {  	[tilespmem:s11], [sflag:$0x9] =	stream.linear.gather [hbm4b:s7+s19], $0x40, $0x38;
	(v2sf) =	vpush v1, $0xD;
	[tilespmem:$0x1EF88] =	vst v63  }
0x99: {  	s7 =	sadd.s32 s6, s8;
	s8 =	sand.u32 $0x1FFFFFF0, s14;
	s11 =	spop (v2sf)  }
0x9a: {  	[tilespmem:s12], [sflag:$0x9] =	stream.linear.gather [hbm4b:s7+s19], $0x40, $0x38;
	(v2sf) =	vpush v1, $0xE;
	[tilespmem:$0x1EF88] =	vst v63  }
0x9b: {  	s7 =	sadd.s32 s6, s8;
	s8 =	sand.u32 $0x1FFFFFF0, s11;
	s11 =	spop (v2sf)  }
0x9c: {  	[tilespmem:s15], [sflag:$0x9] =	stream.linear.gather [hbm4b:s7+s19], $0x40, $0x38;
	(v2sf) =	vpush v1, $0xF;
	[tilespmem:$0x1EF88] =	vst v63  }
0x9d: {  	s7 =	sadd.s32 s6, s8;
	s8 =	sand.u32 $0x1FFFFFF0, s11;
	s11 =	spop (v2sf)  }
0x9e: {  	[tilespmem:s10], [sflag:$0x9] =	stream.linear.gather [hbm4b:s7+s19], $0x40, $0x38;
	[tilespmem:$0x1EF88] =	vst v63  }
0x9f: {  	s7 =	sadd.s32 s6, s8;
	s8 =	sand.u32 $0x1FFFFFF0, s11;
	s10 =	spop (v2sf)  }
0xa0: {  	[tilespmem:s9], [sflag:$0x9] =	stream.linear.gather [hbm4b:s7+s19], $0x40, $0x38;
	[tilespmem:$0x1EF88] =	vst v63  }
0xa1: {  	s7 =	sadd.s32 s6, s8;
	s8 =	sand.u32 $0x1FFFFFF0, s10;
	s9 =	spop (v2sf)  }
0xa2: {  	[tilespmem:s16], [sflag:$0x9] =	stream.linear.gather [hbm4b:s7+s19], $0x40, $0x38;
	[tilespmem:$0x1EF88] =	vst v63  }
0xa3: {  	s7 =	sadd.s32 s6, s8;
	s8 =	sand.u32 $0x1FFFFFF0, s9;
	s9 =	spop (v2sf)  }
0xa4: {  	[tilespmem:s3], [sflag:$0x9] =	stream.linear.gather [hbm4b:s7+s19], $0x40, $0x38;
	[tilespmem:$0x1EF88] =	vst v63  }
0xa5: {  	s3 =	sadd.s32 s6, s8;
	s7 =	sand.u32 $0x1FFFFFF0, s9;
	s8 =	spop (v2sf)  }
0xa6: {  	[tilespmem:s2], [sflag:$0x9] =	stream.linear.gather [hbm4b:s3+s19], $0x40, $0x38;
	[tilespmem:$0x1EF88] =	vst v63  }
0xa7: {  	s2 =	sadd.s32 s6, s7;
	s3 =	sand.u32 $0x1FFFFFF0, s8;
	s7 =	spop (v2sf)  }
0xa8: {  	[tilespmem:s5], [sflag:$0x9] =	stream.linear.gather [hbm4b:s2+s19], $0x40, $0x38;
	[tilespmem:$0x1EF88] =	vst v63  }
0xa9: {  	s2 =	sadd.s32 s6, s3;
	s3 =	sand.u32 $0x1FFFFFF0, s7;
	s5 =	spop (v2sf)  }
0xaa: {  	[tilespmem:s4], [sflag:$0x9] =	stream.linear.gather [hbm4b:s2+s19], $0x40, $0x38;
	[tilespmem:$0x1EF88] =	vst v63  }
0xab: {  	s2 =	sadd.s32 s6, s3  }
.Ltmp4:
0xac: {  	s3 =	sand.u32 $0x1FFFFFF0, s5;
	s4 =	spop (v2sf);
	(pc) =	sbr.rel @p2 .LBB2_5-.Ltmp4, $4  }
0xad: {  	[tilespmem:s0], [sflag:$0x9] =	stream.linear.gather [hbm4b:s2+s19], $0x40, $0x38;
	[tilespmem:$0x1EF88] =	vst v63  }
0xae: {  	s0 =	sadd.s32 s6, s3;
	s2 =	sadd.s32 $0xFFFFFF80, s30;
	s3 =	sand.u32 $0x1FFFFFF0, s4  }
0xaf: {  	[tilespmem:s2], [sflag:$0x9] =	stream.linear.gather [hbm4b:s0+s19], $0x40, $0x38;
	[tilespmem:$0x1EF88] =	vst v63  }
0xb0: {  	s31 =	sadd.s32 $0x10, s31;
	s30 =	sadd.s32 $0x800, s30;
	s2 =	sadd.s32 s6, s3  }
0xb1: {  	[tilespmem:s28], [sflag:$0x9] =	stream.linear.gather [hbm4b:s2+s19], $0x40, $0x38;
	[tilespmem:$0x1EF88] =	vst v63  }
0xb2: {  	s12 =	rddreg [dreg:$0x6]  }
0xb3: {  	s14 =	rddreg [dreg:$0x7]  }
0xb4: {  	s15 =	rddreg [dreg:$0x8]  }
0xb5: {  	s17 =	rddreg [dreg:$0x9]  }
0xb6: {  	s18 =	rddreg [dreg:$0xb]  }
0xb7: {  	s22 =	rddreg [dreg:$0xc]  }
.LBB2_7:
0xb8: {  	p2 =	slt.u32 s25, $0x2  }
.Ltmp5:
0xb9: {  	_ = 	snop;
	(pc) =	sbr.rel @p2 .LBB2_25-.Ltmp5, $1  }
0xba: {  	_ =	sdelay $0x3  }
0xbb: {  	p2 =	sgt.s32 s26, $0x26FC0;
	s0 =	smov.u32 s26;
	s2 =	sshra.s32 s26, $0x1F  }
0xbc: {  	s0 =	simm.s32 @!p2 $0x26FC0;
	s2 =	sand.u32 s2, s26  }
0xbd: {  	s0 =	ssub.s32 s0, s2  }
0xbe: {  	s0 =	sadd.s32 $0xFFFD9040, s0  }
0xbf: {  	s3 =	simm.s32 $0x9;
	s29 =	sshll.u32 s0, $0x2  }
0xc0: {  	_ =	swait.ge [sflag:s3], $0x5000;
	s2 =	ssub.s32 $0x500, s29  }
0xc1: {  	[sflag:s3] =	ssyncset.done $0x0;
	p2 =	sgt.s32 s0, $0x13F;
	s0 =	sshrl.u32 s2, $0x2  }
0xc2: {  	s30 =	simm.s32 $0xB;
	[sflag:s3] =	ssyncadd.s32 $0xFFFFB000;
	s0 =	simm.s32 @p2 $0x0  }
0xc3: {  	_ =	swait.ge [sflag:s30], s0  }
0xc4: {  	s0 =	ssub.s32 $0x0, s0;
	[sflag:s30] =	ssyncset.done $0x0  }
0xc5: {  	[sflag:s30] =	ssyncadd.s32 s0  }
0xc6: {  	v1 =	vld [tilespmem:$0xA108];
	_ =	sdelay $0x4  }
0xc7: {  	(v2sf) =	vpush v1, $0x0  }
0xc8: {  	(v2sf) =	vpush v1, $0x1  }
0xc9: {  	(v2sf) =	vpush v1, $0x2;
	_ =	sdelay $0x3  }
0xca: {  	s0 =	sadd.s32 $0x140, s26  }
0xcb: {  	s4 =	ssub.s32 $0x4E200, s26;
	p2 =	slt.s32 s14, s0  }
0xcc: {  	s0 =	smov.u32 @p2 s14;
	p2 =	sgt.s32 s4, $0x0  }
0xcd: {  	s0 =	ssub.s32 s0, s26;
	s4 =	simm.s32 @!p2 $0x0  }
0xce: {  	p2 =	slt.s32 s4, s0  }
0xcf: {  	s0 =	smov.u32 @p2 s4  }
0xd0: {  	s2 =	simm.s32 $0x1;
	p2 =	slt.s32 s0, $0x1  }
.Ltmp6:
0xd1: {  	s2 =	simm.s32 @!p1 $0x0;
	(pc) =	sbr.rel @p2 .LBB2_12-.Ltmp6, $4  }
0xd2: {  	s7 =	smul.u32 $0x500, s2  }
0xd3: {  	s3 =	spop (v2sf)  }
0xd4: {  	s31 =	sshrl.u32 s7, $0x2;
	s5 =	spop (v2sf)  }
0xd5: {  	s28 =	sadd.s32 $0xAD08, s31;
	s26 =	spop (v2sf)  }
0xd6: {  	s4 =	smin.u32 s0, $0x10  }
0xd7: {  	v1 =	vmov s4  }
0xd8: {  	p3 =	sgt.s32 s0, $0x10;
	vm1 =	vgt.u32 v1, v0  }
.Ltmp7:
0xd9: {  	_ = 	snop;
	(pc) =	sbr.rel @!p3 .LBB2_11-.Ltmp7, $2  }
0xda: {  	_ =	sdelay $0x2  }
0xdb: {  	s9 =	simm.s32 $0x10;
	s10 =	sadd.s32 $0xFFFFFFF0, s0;
	s4 =	smov.u32 s28;
	vm0 =	vmmov vm1  }
.LBB2_10:
0xdc: {  	s7 =	smin.u32 s10, $0x10;
	s9 =	sadd.s32 $0x10, s9;
	v1 =	vld.msk [tilespmem:s4+$0x0 ss:$0x1], vm1  }
0xdd: {  	v2 =	vmov s7;
	p3 =	slt.s32 s9, s0  }
0xde: {  	vm1 =	vgt.u32 v2, v0  }
.Ltmp8:
0xdf: {  	(pc) =	sbr.rel @p3 .LBB2_10-.Ltmp8, $3  }
0xe0: {  	_ =	sdelay $0x1  }
0xe1: {  	v1 =	vshll.u32 v1, $0x4  }
0xe2: {  	s10 =	sadd.s32 $0xFFFFFFF0, s10;
	[tilespmem:s4+$0x0] =	vst.msk vm0, v1;
	s4 =	sadd.s32 $0x10, s4;
	vm0 =	vmmov vm1  }
.LBB2_11:
0xe3: {  	_ =	sdelay $0x4  }
0xe4: {  	v1 =	vld.msk [tilespmem:s4+$0x0 ss:$0x1], vm1;
	_ =	sdelay $0x4  }
0xe5: {  	v1 =	vshll.u32 v1, $0x4  }
0xe6: {  	[tilespmem:s4+$0x0] =	vst.msk vm0, v1  }
.LBB2_12:
0xe7: {  	s4 =	sand.u32 $0x1, s25  }
0xe8: {  	s4 =	smul.u32 $0x140, s4  }
0xe9: {  	p3 =	sne.s32 s5, $0xFFFFFFFF  }
0xea: {  	v1 =	vld.msk @!p3 [tilespmem:s4+$0xAD08], $0x1;
	_ =	sdelay $0x4  }
0xeb: {  	(v2sf) =	vpush @!p3 v1, $0x0;
	_ =	sdelay $0xc  }
.Ltmp9:
0xec: {  	_ = 	snop;
	(pc) =	sbr.rel @p2 .LBB2_23-.Ltmp9, $4  }
0xed: {  	_ = 	snop  }
0xee: {  	s29 =	spop @!p3 (v2sf)  }
0xef: {  	s31 =	simm.s32 $0xC;
	s26 =	simm.s32 @!p3 $0x0;
	s4 =	smov.u32 s29  }
0xf0: {  	[sflag:s31] =	ssyncpa.u1 $0x0;
	s29 =	smov.u32 @p3 s3;
	s4 =	smov.u32 @p3 s5  }
0xf1: {  	v1 =	vld.msk [tilespmem:s28+$0x0], $0x1;
	_ =	sdelay $0x4  }
0xf2: {  	(v2sf) =	vpush v1, $0x0;
	_ =	sdelay $0xe  }
0xf3: {  	s2 =	smul.u32 $0x28000, s2;
	s5 =	spop (v2sf)  }
0xf4: {  	s31 =	ssub.s32 $0x0, s0;
	p2 =	seq.s32 s29, s5  }
0xf5: {  	s3 =	smov.u32 s29;
	s2 =	sshrl.u32 s2, $0x2;
	p3 =	sgt.s32 @!p2 s29, $0x0  }
0xf6: {  	s30 =	sadd.s32 $0xAFA8, s2;
	s2 =	sadd.s32 $0x1, s31;
	p3 =	por !p3, p2  }
0xf7: {  	s3 =	simm.s32 @p3 $0x0;
	p3 =	seq.s32 s2, $0x0  }
.Ltmp10:
0xf8: {  	_ = 	snop;
	(pc) =	sbr.rel @p3 .LBB2_15-.Ltmp10, $4  }
0xf9: {  	_ = 	snop  }
0xfa: {  	s0 =	simm.s32 $0x0;
	s9 =	simm.s32 @!p2 $0x1;
	s3 =	smin.u32 @!p2 s3, $0x270F8  }
0xfb: {  	s10 =	simm.s32 @!p2 $0x50C8;
	s9 =	smov.u32 @p2 s0;
	s7 =	sand.u32 @!p2 $0x3FFF8, s3  }
0xfc: {  	s16 =	sand.u32 @!p2 $0x7, s3;
	s3 =	sadd.s32 $0x1, s28;
	s11 =	sadd.s32 @!p2 s1, s7  }
.LBB2_14:
0xfd: {  	s7 =	smov.u32 s9  }
0xfe: {  	[tilespmem:s10], [sflag:$0x2] =	stream.linear.gather @!p2 [hbm4b:s11+s16], $0x40, $0x38;
	[tilespmem:$0x1EF88] =	vst v63  }
0xff: {  	s2 =	sadd.s32 $0x1, s2;
	s8 =	smov.u32 s5;
	v1 =	vld.msk [tilespmem:s3+$0x0], $0x1  }
0x100: {  	p3 =	seq.s32 s2, $0x0;
	_ =	sdelay $0x3  }
0x101: {  	(v2sf) =	vpush v1, $0x0;
	_ =	sdelay $0xe  }
0x102: {  	s5 =	spop (v2sf)  }
0x103: {  	p2 =	seq.s32 s8, s5  }
0x104: {  	p4 =	sgt.s32 @!p2 s8, $0x0;
	s10 =	sshll.u32 @!p2 s9, $0x8;
	s9 =	sadd.s32 @!p2 $0x1, s9  }
.Ltmp11:
0x105: {  	p4 =	por !p4, p2;
	s10 =	sshra.s32 @!p2 s10, $0x2;
	(pc) =	sbr.rel @!p3 .LBB2_14-.Ltmp11, $4  }
0x106: {  	s9 =	smov.u32 @p2 s7;
	s8 =	simm.s32 @p4 $0x0;
	s10 =	sadd.s32 @!p2 $0x50C8, s10  }
0x107: {  	s7 =	smin.u32 @!p2 s8, $0x270F8  }
0x108: {  	s8 =	sand.u32 @!p2 $0x3FFF8, s7;
	s16 =	sand.u32 @!p2 $0x7, s7  }
0x109: {  	s3 =	sadd.s32 $0x1, s3;
	s11 =	sadd.s32 @!p2 s1, s8  }
.LBB2_15:
0x10a: {  	[tilespmem:s10], [sflag:$0x2] =	stream.linear.gather @!p2 [hbm4b:s11+s16], $0x40, $0x38;
	[tilespmem:$0x1EF88] =	vst v63  }
.Ltmp12:
0x10b: {  	s2 =	sshll.u32 s9, $0x6;
	(pc) =	sbr.rel .LBB2_16-.Ltmp12, $4  }
0x10c: {  	s3 =	simm.s32 $0x2;
	s2 =	sand.u32 $0x3FFFFFC0, s2  }
0x10d: {  	_ =	swait.ge [sflag:s3], s2  }
0x10e: {  	s2 =	ssub.s32 $0x0, s2;
	[sflag:s3] =	ssyncset.done $0x0  }
0x10f: {  	[sflag:s3] =	ssyncadd.s32 s2;
	s3 =	simm.s32 $0x0  }
.LBB2_17:
0x110: {  	v1 =	vld [tilespmem:s30+$0xFFFFFFE0];
	_ =	sdelay $0x4  }
0x111: {  	[tilespmem:s5+$0x88] =	vst.add.f32.msk $0xffff, v1  }
0x112: {  	v1 =	vld [tilespmem:s30+$0xFFFFFFF0];
	_ =	sdelay $0x4  }
0x113: {  	[tilespmem:s5+$0x98] =	vst.add.f32.msk $0xffff, v1  }
0x114: {  	v1 =	vld [tilespmem:s30+$0x0];
	_ =	sdelay $0x4  }
0x115: {  	[tilespmem:s5+$0xA8] =	vst.add.f32.msk $0xffff, v1  }
0x116: {  	v1 =	vld [tilespmem:s30+$0x10];
	_ =	sdelay $0x4  }
0x117: {  	[tilespmem:s5+$0xB8] =	vst.add.f32.msk $0xffff, v1  }
.LBB2_21:
0x118: {  	s31 =	sadd.s32 $0x1, s31  }
0x119: {  	p2 =	seq.s32 s31, $0x0  }
.Ltmp13:
0x11a: {  	_ = 	snop;
	(pc) =	sbr.rel @p2 .LBB2_22-.Ltmp13, $2  }
0x11b: {  	_ =	sdelay $0x2  }
0x11c: {  	s30 =	sadd.s32 $0x80, s30;
	s28 =	sadd.s32 $0x1, s28;
	s29 =	smov.u32 s2  }
.LBB2_16:
0x11d: {  	v1 =	vld.msk [tilespmem:s28+$0x0], $0x1;
	_ =	sdelay $0x4  }
0x11e: {  	(v2sf) =	vpush v1, $0x0;
	_ =	sdelay $0xe  }
0x11f: {  	s2 =	spop (v2sf)  }
0x120: {  	p2 =	sne.s32 s29, s2  }
.Ltmp14:
0x121: {  	_ = 	snop;
	(pc) =	sbr.rel @!p2 .LBB2_17-.Ltmp14, $3  }
0x122: {  	_ =	sdelay $0x1  }
0x123: {  	s5 =	sshll.u32 s26, $0x8  }
0x124: {  	s5 =	sshra.s32 s5, $0x2  }
0x125: {  	p2 =	seq.s32 s29, s4  }
.Ltmp15:
0x126: {  	_ = 	snop;
	(pc) =	sbr.rel @!p2 .LBB2_19-.Ltmp15, $1  }
0x127: {  	_ =	sdelay $0x3  }
.Ltmp16:
0x128: {  	s5 =	sadd.s32 $0x88, s5;
	(pc) =	sbr.rel .LBB2_20-.Ltmp16, $4  }
0x129: {  	[spmem:s18] =	stream.linear.scatter [tilespmem:s5], [sflag:$0x1], $0x40, $0x38;
	[tilespmem:$0x1EF88] =	vst v63  }
0x12a: {  	_ =	swait.ge [sflag:s13], $0x40  }
0x12b: {  	[sflag:s13] =	ssyncset.done $0x0  }
0x12c: {  	[sflag:s13] =	ssyncadd.s32 $0xFFFFFFC0  }
.LBB2_19:
0x12d: {  	s7 =	sshll.u32 s0, $0x8  }
0x12e: {  	s7 =	sshra.s32 s7, $0x2  }
0x12f: {  	v1 =	vld [tilespmem:s7+$0x50C8];
	_ =	sdelay $0x4  }
0x130: {  	[tilespmem:s5+$0x88] =	vst.add.f32.msk $0xffff, v1  }
0x131: {  	v1 =	vld [tilespmem:s7+$0x50D8];
	_ =	sdelay $0x4  }
0x132: {  	[tilespmem:s5+$0x98] =	vst.add.f32.msk $0xffff, v1  }
0x133: {  	v1 =	vld [tilespmem:s7+$0x50E8];
	_ =	sdelay $0x4  }
0x134: {  	[tilespmem:s5+$0xA8] =	vst.add.f32.msk $0xffff, v1  }
0x135: {  	v1 =	vld [tilespmem:s7+$0x50F8];
	_ =	sdelay $0x2  }
0x136: {  	p2 =	sgt.u32 s29, $0x270F8  }
0x137: {  	s7 =	sand.u32 @!p2 $0x3FFF8, s29  }
0x138: {  	s8 =	sadd.s32 $0x88, s5;
	[tilespmem:s5+$0xB8] =	vst.add.f32.msk $0xffff, v1;
	s5 =	sadd.s32 @!p2 s1, s7;
	s7 =	sand.u32 @!p2 $0x7, s29  }
0x139: {  	[hbm4b:s5+s7] =	stream.linear.scatter @!p2 [tilespmem:s8], [sflag:$0xC], $0x40, $0x38;
	[tilespmem:$0x1EF88] =	vst v63  }
0x13a: {  	s5 =	simm.s32 $0x0  }
0x13b: {  	s5 =	simm.s32 @!p2 $0x100  }
0x13c: {  	s3 =	sadd.s32 s5, s3  }
.LBB2_20:
0x13d: {  	s5 =	sadd.s32 $0x1, s26  }
0x13e: {  	s7 =	smulhi.u32 $0xCCCCCCCD, s5;
	_ =	sdelay $0x1  }
0x13f: {  	v1 =	vld [tilespmem:s30+$0xFFFFFFE0];
	s7 =	sshrl.u32 s7, $0x8  }
0x140: {  	s7 =	smul.u32 $0x140, s7;
	_ =	sdelay $0x1  }
0x141: {  	s26 =	ssub.s32 s5, s7  }
0x142: {  	s5 =	sshll.u32 s26, $0x6  }
0x143: {  	[tilespmem:s5+$0x88] =	vst v1  }
0x144: {  	v1 =	vld [tilespmem:s30+$0xFFFFFFF0];
	_ =	sdelay $0x4  }
0x145: {  	[tilespmem:s5+$0x98] =	vst v1  }
0x146: {  	v1 =	vld [tilespmem:s30+$0x0];
	_ =	sdelay $0x4  }
0x147: {  	[tilespmem:s5+$0xA8] =	vst v1  }
0x148: {  	v1 =	vld [tilespmem:s30+$0x10]  }
.Ltmp17:
0x149: {  	_ = 	snop;
	(pc) =	sbr.rel .LBB2_21-.Ltmp17, $2  }
0x14a: {  	_ =	sdelay $0x2  }
0x14b: {  	s0 =	sadd.s32 $0x1, s0;
	[tilespmem:s5+$0xB8] =	vst v1  }
.LBB2_23:
.Ltmp18:
0x14c: {  	(pc) =	sbr.rel .LBB2_24-.Ltmp18, $4  }
0x14d: {  	_ = 	snop  }
0x14e: {  	s0 =	simm.s32 $0x2  }
0x14f: {  	_ =	swait.ge [sflag:s0], $0x0  }
0x150: {  	s2 =	smov.u32 s29;
	[sflag:s0] =	ssyncset.done $0x0;
	s0 =	simm.s32 $0x0  }
.LBB2_26:
0x151: {  	_ =	sfence.sel $0x180000  }
0x152: {  	s0 =	simm.s32 $0x9;
	[bflag:$0x0] =	sbarrier.arrive $0xFFFF  }
0x153: {  	s24 =	simm.s32 $0xA;
	[sflag:s0] =	ssyncpa.u1 $0x1  }
0x154: {  	s25 =	simm.s32 $0xB;
	[sflag:s24] =	ssyncpa.u1 $0x1  }
0x155: {  	s26 =	simm.s32 $0x2;
	[sflag:s25] =	ssyncpa.u1 $0x1  }
0x156: {  	[sflag:s26] =	ssyncpa.u1 $0x1  }
0x157: {  	v0 =	vld [tilespmem:$0xA108];
	_ =	sdelay $0x4  }
0x158: {  	(v2sf) =	vpush v0, $0x0  }
0x159: {  	(v2sf) =	vpush v0, $0x1;
	_ =	sdelay $0x1  }
0x15a: {  	(v2sf) =	vpush v0, $0x2;
	_ =	sdelay $0xb  }
0x15b: {  	s0 =	spop (v2sf)  }
0x15c: {  	s2 =	spop (v2sf)  }
0x15d: {  	s3 =	smov.u32 s0;
	p0 =	sne.s32 s0, s2  }
0x15e: {  	s4 =	spop (v2sf);
	s3 =	simm.s32 @!p0 $0xFFFFFFFF  }
0x15f: {  	v2 =	vimm.s32 $0x1;
	v3 =	vlaneseq.u32;
	p0 =	seq.s32 s4, $0xFFFFFFFF;
	v1 =	vmov s3  }
0x160: {  	s14 =	stileid.u32;
	v0 =	vperm.xlane v0, v2;
	p1 =	sne.s32 @!p0 s0, s2;
	v1 =	vperm.xlane v1, v3  }
0x161: {  	vm0 =	vcmask $0x3F04;
	s6 =	simm.s32 $0xA108;
	s0 =	simm.s32 @!p0 $0x1;
	p1 =	por !p1, p0  }
0x162: {  	s3 =	sshll.u32 s14, $0x1;
	s2 =	sshll.u32 @!p0 s4, $0x8;
	s0 =	simm.s32 @p1 $0x0;
	v0 =	vsel vm0, v1, v0  }
0x163: {  	s5 =	sor.u32 $0x800, s3;
	s2 =	sshra.s32 @!p0 s2, $0x2;
	s0 =	sor.u32 @!p0 s0, s3;
	[tilespmem:$0xA108] =	vst v0  }
0x164: {  	[spmem:s5] =	stream.linear.scatter [tilespmem:s6], [sflag:$0x1], $0x2, $0x38;
	[tilespmem:$0x1EF88] =	vst v63  }
0x165: {  	s2 =	sadd.s32 @!p0 $0x88, s2;
	s0 =	sshll.u32 @!p0 s0, $0x6  }
0x166: {  	[spmem:s0] =	stream.linear.scatter @!p0 [tilespmem:s2], [sflag:$0x1], $0x40, $0x38;
	[tilespmem:$0x1EF88] =	vst v63  }
0x167: {  	s0 =	simm.s32 @!p0 $0x42  }
0x168: {  	s28 =	simm.s32 $0x1;
	s0 =	simm.s32 @p0 $0x2  }
0x169: {  	_ =	swait.ge [sflag:s28], s0  }
0x16a: {  	s0 =	ssub.s32 $0x0, s0;
	[sflag:s28] =	ssyncset.done $0x0  }
0x16b: {  	p0 =	sne.s32 s14, $0x0;
	[sflag:s28] =	ssyncadd.s32 s0  }
.Ltmp19:
0x16c: {  	_ =	sfence.stream.spmem;
	(pc) =	sbr.rel @p0 .LBB2_43-.Ltmp19, $4  }
0x16d: {  	s29 =	simm.s32 $0x3;
	[bflag:$0x0] =	sbarrier.arrive $0xFFFF  }
0x16e: {  	s30 =	simm.s32 $0x4;
	[sflag:s29] =	ssyncpa.u1 $0x1  }
0x16f: {  	s31 =	simm.s32 $0x3C;
	[sflag:s30] =	ssyncpa.u1 $0x1  }
0x170: {  	s13 =	rddreg [dreg:$0x5];
	[sflag:s31] =	ssyncpa.u1 $0x1  }
0x171: {  	_ =	sfence.stream.spmem;
	s0 =	simm.s32 $0x5  }
0x172: {  	s2 =	simm.s32 $0x800;
	s3 =	simm.s32 $0xA118;
	[sflag:s0] =	ssyncpa.u1 $0x0  }
0x173: {  	[tilespmem:s3], [sflag:$0x5] =	stream.linear.gather [spmem:s2], $0x20, $0x38;
	[tilespmem:$0x1EF88] =	vst v63  }
0x174: {  	s26 =	simm.s32 $0x0;
	s28 =	simm.s32 $0xA138  }
0x175: {  	[tilespmem:s28], [sflag:$0x5] =	stream.linear.gather [spmem:s26], $0x800, $0x38;
	[tilespmem:$0x1EF88] =	vst v63  }
0x176: {  	_ =	swait.ge [sflag:s0], $0x820  }
0x177: {  	[sflag:s0] =	ssyncset.done $0x0  }
0x178: {  	s29 =	simm.s32 $0x0;
	[sflag:s0] =	ssyncadd.s32 $0xFFFFF7E0  }
0x179: {  	v0 =	vld.msk [tilespmem:s29+$0xA118], $0x1;
	_ =	sdelay $0x1  }
0x17a: {  	s30 =	simm.s32 $0x1  }
0x17b: {  	v1 =	vld.msk [tilespmem:s30+$0xA118], $0x1;
	_ =	sdelay $0x1  }
0x17c: {  	(v2sf) =	vpush v0, $0x0;
	_ =	sdelay $0x2  }
0x17d: {  	(v2sf) =	vpush v1, $0x0;
	_ =	sdelay $0x2  }
0x17e: {  	s31 =	simm.s32 $0x2  }
0x17f: {  	v0 =	vld.msk [tilespmem:s31+$0xA118], $0x1;
	_ =	sdelay $0x2  }
0x180: {  	s2 =	simm.s32 $0xFFFFFFFF;
	s3 =	simm.s32 $0xFFFFFFFF;
	s0 =	simm.s32 $0xC  }
.LBB2_28:
0x181: {  	s4 =	smov.u32 s3;
	s5 =	smov.u32 s2  }
0x182: {  	s2 =	sshra.s32 s0, $0x2;
	p1 =	sne.s32 s0, $0x7C;
	s0 =	sadd.s32 $0x4, s0;
	(v2sf) =	vpush v0, $0x0  }
0x183: {  	v0 =	vld.msk [tilespmem:s2+$0xA118], $0x1  }
.Ltmp20:
0x184: {  	(pc) =	sbr.rel @p1 .LBB2_28-.Ltmp20, $4  }
0x185: {  	s3 =	spop (v2sf)  }
0x186: {  	p2 =	sne.s32 s5, $0xFFFFFFFF;
	s2 =	smov.u32 s3  }
0x187: {  	p3 =	seq.s32 s3, $0xFFFFFFFF;
	s2 =	smov.u32 @p2 s5  }
0x188: {  	s3 =	smov.u32 @p3 s4;
	s2 =	smov.u32 @p3 s5  }
0x189: {  	(v2sf) =	vpush v0, $0x0;
	_ =	sdelay $0x8  }
0x18a: {  	s0 =	spop (v2sf)  }
0x18b: {  	p1 =	sne.s32 s2, $0xFFFFFFFF;
	s4 =	smov.u32 s0  }
0x18c: {  	s6 =	simm.s32 $0x0;
	p2 =	seq.s32 s0, $0xFFFFFFFF;
	s4 =	smov.u32 @p1 s2  }
0x18d: {  	s9 =	simm.s32 $0xA0C8;
	s4 =	smov.u32 @p2 s2;
	s2 =	spop (v2sf)  }
0x18e: {  	s0 =	smov.u32 @p2 s3;
	p1 =	sne.s32 s4, $0xFFFFFFFF;
	s5 =	smov.u32 s2  }
.Ltmp21:
0x18f: {  	p2 =	seq.s32 s2, $0xFFFFFFFF;
	s5 =	smov.u32 @p1 s4;
	(pc) =	sbr.rel .LBB2_30-.Ltmp21, $4  }
0x190: {  	s10 =	simm.s32 $0x0;
	s5 =	smov.u32 @p2 s4;
	s7 =	spop (v2sf)  }
0x191: {  	s2 =	smov.u32 @p2 s0;
	p1 =	sne.s32 s5, $0xFFFFFFFF;
	s8 =	smov.u32 s7  }
0x192: {  	s0 =	simm.s32 $0x6;
	p2 =	seq.s32 s7, $0xFFFFFFFF;
	s8 =	smov.u32 @p1 s5  }
0x193: {  	[sflag:s0] =	ssyncpa.u1 $0x0;
	s7 =	smov.u32 @p2 s2;
	s8 =	smov.u32 @p2 s5  }
.LBB2_36:
0x194: {  	p1 =	sgt.u32 s2, $0x270F8  }
0x195: {  	p2 =	seq.s32 @!p1 s2, s8  }
0x196: {  	p1 =	por p1, p2  }
0x197: {  	p2 =	sne.s32 @!p1 s2, s7  }
0x198: {  	p1 =	por p1, !p2  }
0x199: {  	s2 =	sshll.u32 @p1 s10, $0x8  }
0x19a: {  	s3 =	sand.u32 @!p1 $0x3FFF8, s2  }
0x19b: {  	s2 =	sand.u32 @!p1 $0x7, s2;
	s3 =	sadd.s32 @!p1 s1, s3  }
0x19c: {  	[tilespmem:s9], [sflag:$0x6] =	stream.linear.gather @!p1 [hbm4b:s3+s2], $0x40, $0x38;
	[tilespmem:$0x1EF88] =	vst v63  }
0x19d: {  	_ =	swait.ge @!p1 [sflag:s0], $0x40  }
0x19e: {  	[sflag:s0] =	ssyncset.done @!p1 $0x0  }
0x19f: {  	[sflag:s0] =	ssyncadd.s32 @!p1 $0xFFFFFFC0  }
0x1a0: {  	v1 =	vld @!p1 [tilespmem:$0xA0C8];
	_ =	sdelay $0x2  }
0x1a1: {  	s2 =	sshll.u32 @!p1 s10, $0x8  }
0x1a2: {  	s3 =	sshrl.u32 @!p1 s2, $0x2  }
0x1a3: {  	[tilespmem:s3+$0xA138] =	vst.add.f32.msk @!p1 $0xffff, v1  }
0x1a4: {  	v1 =	vld @!p1 [tilespmem:$0xA0D8];
	_ =	sdelay $0x4  }
0x1a5: {  	[tilespmem:s3+$0xA148] =	vst.add.f32.msk @!p1 $0xffff, v1  }
0x1a6: {  	v1 =	vld @!p1 [tilespmem:$0xA0E8];
	_ =	sdelay $0x4  }
0x1a7: {  	[tilespmem:s3+$0xA158] =	vst.add.f32.msk @!p1 $0xffff, v1  }
0x1a8: {  	v1 =	vld @!p1 [tilespmem:$0xA0F8];
	_ =	sdelay $0x4  }
0x1a9: {  	[tilespmem:s3+$0xA168] =	vst.add.f32.msk @!p1 $0xffff, v1  }
0x1aa: {  	s2 =	sshrl.u32 s2, $0x2;
	[tilespmem:s6+$0xA118] =	vst.msk $0x1, v0  }
0x1ab: {  	v0 =	vld [tilespmem:s2+$0xA138];
	_ =	sdelay $0x2  }
0x1ac: {  	s31 =	sshll.u32 s6, $0x8  }
0x1ad: {  	s3 =	sshra.s32 s31, $0x2  }
0x1ae: {  	[tilespmem:s3+$0xA138] =	vst v0  }
0x1af: {  	v0 =	vld [tilespmem:s2+$0xA148];
	_ =	sdelay $0x4  }
0x1b0: {  	[tilespmem:s3+$0xA148] =	vst v0  }
0x1b1: {  	v0 =	vld [tilespmem:s2+$0xA158];
	_ =	sdelay $0x4  }
0x1b2: {  	[tilespmem:s3+$0xA158] =	vst v0  }
0x1b3: {  	v0 =	vld [tilespmem:s2+$0xA168];
	_ =	sdelay $0x4  }
0x1b4: {  	s6 =	sadd.s32 $0x1, s6;
	[tilespmem:s3+$0xA168] =	vst v0  }
.LBB2_37:
0x1b5: {  	s10 =	sadd.s32 $0x1, s10  }
0x1b6: {  	p1 =	sne.s32 s10, $0x20  }
.Ltmp22:
0x1b7: {  	_ = 	snop;
	(pc) =	sbr.rel @!p1 .LBB2_38-.Ltmp22, $1  }
0x1b8: {  	_ =	sdelay $0x3  }
.LBB2_30:
0x1b9: {  	v0 =	vld.msk [tilespmem:s10+$0xA118], $0x1;
	_ =	sdelay $0x4  }
0x1ba: {  	(v2sf) =	vpush v0, $0x0;
	_ =	sdelay $0xe  }
0x1bb: {  	s2 =	spop (v2sf)  }
0x1bc: {  	p1 =	seq.s32 s2, $0xFFFFFFFF  }
.Ltmp23:
0x1bd: {  	_ = 	snop;
	(pc) =	sbr.rel @p1 .LBB2_37-.Ltmp23, $1  }
0x1be: {  	_ =	sdelay $0x3  }
0x1bf: {  	p1 =	slt.s32 s6, $0x1  }
.Ltmp24:
0x1c0: {  	_ = 	snop;
	(pc) =	sbr.rel @p1 .LBB2_36-.Ltmp24, $1  }
0x1c1: {  	_ =	sdelay $0x3  }
0x1c2: {  	s3 =	simm.s32 $0xA118;
	p1 =	por $0x0, $0x0  }
0x1c3: {  	v1 =	vld.msk @!p1 [tilespmem:s3+$0x0], $0x1;
	_ =	sdelay $0x4  }
0x1c4: {  	(v2sf) =	vpush @!p1 v1, $0x0;
	_ =	sdelay $0xd  }
0x1c5: {  	p3 =	sne.s32 s6, $0x1  }
.Ltmp25:
0x1c6: {  	s4 =	spop @!p1 (v2sf);
	(pc) =	sbr.rel @!p3 .LBB2_34-.Ltmp25, $4  }
0x1c7: {  	p2 =	seq.s32 @!p1 s2, s4  }
0x1c8: {  	s4 =	simm.s32 $0x0;
	p2 =	por !p2, p1  }
0x1c9: {  	s11 =	simm.s32 $0xFFFFFFFF;
	s4 =	simm.s32 @p2 $0xFFFFFFFF  }
0x1ca: {  	s5 =	simm.s32 $0x1;
	s4 =	smov.u32 @p1 s11  }
.LBB2_33:
0x1cb: {  	s11 =	smov.u32 s4;
	p1 =	sne.s32 s4, $0xFFFFFFFF  }
0x1cc: {  	s3 =	sadd.s32 $0x1, s3;
	s4 =	smov.u32 s5;
	s5 =	sadd.s32 $0x1, s5  }
0x1cd: {  	p2 =	sne.s32 s6, s5;
	v1 =	vld.msk @!p1 [tilespmem:s3+$0x0], $0x1;
	_ =	sdelay $0x4  }
0x1ce: {  	(v2sf) =	vpush @!p1 v1, $0x0;
	_ =	sdelay $0xe  }
.Ltmp26:
0x1cf: {  	s12 =	spop @!p1 (v2sf);
	(pc) =	sbr.rel @p2 .LBB2_33-.Ltmp26, $4  }
0x1d0: {  	p3 =	seq.s32 @!p1 s2, s12  }
0x1d1: {  	p3 =	por !p3, p1  }
0x1d2: {  	s4 =	simm.s32 @p3 $0xFFFFFFFF  }
0x1d3: {  	s4 =	smov.u32 @p1 s11  }
.LBB2_34:
0x1d4: {  	p1 =	seq.s32 s4, $0xFFFFFFFF  }
.Ltmp27:
0x1d5: {  	_ = 	snop;
	(pc) =	sbr.rel @p1 .LBB2_36-.Ltmp27, $1  }
0x1d6: {  	_ =	sdelay $0x3  }
0x1d7: {  	s2 =	sshll.u32 s10, $0x6  }
0x1d8: {  	s2 =	sand.u32 $0x3FFFFFC0, s2  }
0x1d9: {  	v0 =	vld [tilespmem:s2+$0xA138];
	_ =	sdelay $0x2  }
0x1da: {  	s3 =	sshll.u32 s4, $0x8  }
0x1db: {  	s3 =	sshra.s32 s3, $0x2  }
0x1dc: {  	[tilespmem:s3+$0xA138] =	vst.add.f32.msk $0xffff, v0  }
0x1dd: {  	v0 =	vld [tilespmem:s2+$0xA148];
	_ =	sdelay $0x4  }
0x1de: {  	[tilespmem:s3+$0xA148] =	vst.add.f32.msk $0xffff, v0  }
0x1df: {  	v0 =	vld [tilespmem:s2+$0xA158];
	_ =	sdelay $0x4  }
0x1e0: {  	[tilespmem:s3+$0xA158] =	vst.add.f32.msk $0xffff, v0  }
0x1e1: {  	v0 =	vld [tilespmem:s2+$0xA168]  }
.Ltmp28:
0x1e2: {  	_ = 	snop;
	(pc) =	sbr.rel .LBB2_37-.Ltmp28, $2  }
0x1e3: {  	_ =	sdelay $0x2  }
0x1e4: {  	[tilespmem:s3+$0xA168] =	vst.add.f32.msk $0xffff, v0  }
.LBB2_38:
0x1e5: {  	s0 =	simm.s32 $0x6;
	p1 =	seq.s32 s6, $0x0  }
0x1e6: {  	[sflag:s0] =	ssyncpa.u1 $0x1;
	v0 =	vimm.s32 @p1 $0xFFFFFFFF  }
0x1e7: {  	s0 =	sadd.s32 $0xFFFFFFFF, s6;
	[tilespmem:$0xA938] =	vst @p1 v0  }
0x1e8: {  	v0 =	vld.msk @!p1 [tilespmem:s0+$0xA118], $0x1;
	_ =	sdelay $0x1  }
0x1e9: {  	v1 =	vld.msk @!p1 [tilespmem:$0xA118], $0x1;
	_ =	sdelay $0x2  }
0x1ea: {  	p2 =	seq.s32 @!p1 s0, $0x0;
	v0 =	vbroadcast @!p1 v0, $0x0  }
0x1eb: {  	vm0 =	vmmov @!p1 $0x1;
	p2 =	por !p2, p1  }
0x1ec: {  	v1 =	vnsel @!p1 vm0, $0xFFFFFFFF, v1;
	vm0 =	vcmask @!p1 $0x308;
	v0 =	vpsel !p2, $0xFFFFFFFF, v0  }
0x1ed: {  	p2 =	sne.s32 @!p1 s8, s7;
	v0 =	vsel @!p1 vm0, v1, v0  }
0x1ee: {  	s2 =	simm.s32 @!p1 $0xA138;
	s3 =	simm.s32 @!p1 $0x0;
	p3 =	por !p2, p1;
	[tilespmem:$0xA938] =	vst @!p1 v0  }
0x1ef: {  	[spmem:s3] =	stream.linear.scatter @!p1 [tilespmem:s2], [sflag:$0x1], $0x40, $0x38;
	[tilespmem:$0x1EF88] =	vst v63  }
0x1f0: {  	s2 =	sshll.u32 @!p3 s0, $0x8  }
0x1f1: {  	s2 =	sshra.s32 @!p3 s2, $0x2  }
0x1f2: {  	s3 =	simm.s32 @!p3 $0x40;
	s2 =	sadd.s32 @!p3 $0xA138, s2  }
0x1f3: {  	[spmem:s3] =	stream.linear.scatter @!p3 [tilespmem:s2], [sflag:$0x1], $0x40, $0x38;
	[tilespmem:$0x1EF88] =	vst v63  }
0x1f4: {  	s2 =	simm.s32 @!p3 $0x1  }
0x1f5: {  	_ =	swait.ge @!p3 [sflag:s2], $0x80  }
0x1f6: {  	p1 =	por p2, p1;
	[sflag:s2] =	ssyncset.done @!p3 $0x0  }
0x1f7: {  	[sflag:s2] =	ssyncadd.s32 @!p3 $0xFFFFFF80;
	s2 =	simm.s32 @!p1 $0x1  }
0x1f8: {  	_ =	swait.ge @!p1 [sflag:s2], $0x40  }
0x1f9: {  	s29 =	simm.s32 $0xA938;
	[sflag:s2] =	ssyncset.done @!p1 $0x0  }
0x1fa: {  	s30 =	simm.s32 $0x800;
	s31 =	simm.s32 $0x1;
	[sflag:s2] =	ssyncadd.s32 @!p1 $0xFFFFFFC0  }
0x1fb: {  	[spmem:s30] =	stream.linear.scatter [tilespmem:s29], [sflag:$0x1], $0x10, $0x38;
	[tilespmem:$0x1EF88] =	vst v63  }
0x1fc: {  	_ =	swait.ge [sflag:s31], $0x10  }
0x1fd: {  	[sflag:s31] =	ssyncset.done $0x0  }
0x1fe: {  	p1 =	seq.s32 s13, $0x0;
	s9 =	rddreg [dreg:$0x2];
	[sflag:s31] =	ssyncadd.s32 $0xFFFFFFF0  }
0x1ff: {  	s3 =	sshll.u32 @p1 s9, $0xE;
	s8 =	rddreg [dreg:$0x3]  }
0x200: {  	s2 =	sadd.s32 @p1 $0x15C3C, s3;
	s3 =	sshll.u32 @p1 s8, $0x11  }
0x201: {  	_ =	sfence.stream.spmem;
	s2 =	sor.u32 @p1 s3, s2  }
0x202: {  	[sflag:s2] =	ssyncadd.remote.s32 @p1 $0x1;
	s2 =	simm.s32 @p1 $0x4  }
0x203: {  	s4 =	simm.s32 @!p1 $0x3C;
	s3 =	sand.u32 $0xFFFFFFFE, s9;
	_ =	swait.ge @p1 [sflag:s2], $0x12  }
0x204: {  	s5 =	simm.s32 @!p1 $0x0;
	s3 =	sadd.s32 @!p1 $0x4, s3;
	[sflag:s2] =	ssyncset.done @p1 $0x0  }
0x205: {  	s7 =	simm.s32 @!p1 $0x80;
	[sflag:s2] =	ssyncadd.s32 @p1 $0xFFFFFFEE;
	s2 =	sshll.u32 @!p1 s3, $0x1A  }
0x206: {  	s3 =	sshll.u32 @!p1 s3, $0xD;
	s2 =	sor.u32 @!p1 s2, s8;
	_ =	swait.eq @!p1 [sflag:s4], $0x1  }
0x207: {  	s3 =	sor.u32 @!p1 $0x1C04, s3;
	s4 =	simm.s32 @!p1 $0x1C03;
	s2 =	sor.u32 @!p1 $0x80004000, s2  }
0x208: {  	[spmem:s7], [sflag:s3] =	dma.general @!p1 [spmem:s5], [sflag:s4], length:$0x10, [dreg:$0x0], stride_count:$0x0, ici_dest:s2, dma_misc:DstOpCode:WRITE  }
0x209: {  	p2 =	slt.s32 s0, $0x2;
	s5 =	simm.s32 @!p1 $0x100;
	s7 =	simm.s32 @!p1 $0x102  }
0x20a: {  	[spmem:s7], [sflag:s3] =	dma.general @!p1 [spmem:s5], [sflag:s4], length:$0x2, [dreg:$0x0], stride_count:$0x0, ici_dest:s2, dma_misc:DstOpCode:WRITE  }
.Ltmp29:
0x20b: {  	s2 =	simm.s32 @!p1 $0x3;
	(pc) =	sbr.rel @p2 .LBB2_42-.Ltmp29, $4  }
0x20c: {  	s3 =	sshll.u32 @!p1 s9, $0xE;
	_ =	swait.ge @!p1 [sflag:s2], $0x12  }
0x20d: {  	s4 =	sshll.u32 @!p1 s8, $0x11;
	s3 =	sadd.s32 @!p1 $0x11C3C, s3;
	[sflag:s2] =	ssyncset.done @!p1 $0x0  }
0x20e: {  	[sflag:s2] =	ssyncadd.s32 @!p1 $0xFFFFFFEE;
	s2 =	sor.u32 @!p1 s4, s3  }
0x20f: {  	s0 =	simm.s32 $0x0;
	[sflag:s2] =	ssyncadd.remote.s32 @!p1 $0xFFFFFFFF  }
0x210: {  	s0 =	simm.s32 $0xA119  }
0x211: {  	v0 =	vld.msk [tilespmem:s0+$0x0], $0x1;
	_ =	sdelay $0x4  }
0x212: {  	(v2sf) =	vpush v0, $0x0;
	_ =	sdelay $0xc  }
0x213: {  	s2 =	sadd.s32 $0xFFFFFFFE, s6  }
0x214: {  	s2 =	sadd.s32 $0xFFFFFFFF, s2  }
0x215: {  	p2 =	sne.s32 s2, $0x0;
	s3 =	spop (v2sf)  }
.Ltmp30:
0x216: {  	p1 =	sgt.u32 s3, $0x270F8;
	(pc) =	sbr.rel @!p2 .LBB2_41-.Ltmp30, $4  }
0x217: {  	s5 =	simm.s32 $0x0;
	s4 =	sand.u32 @!p1 $0x3FFF8, s3  }
0x218: {  	s0 =	simm.s32 $0xA178;
	s3 =	sand.u32 @!p1 $0x7, s3;
	s4 =	sadd.s32 @!p1 s1, s4  }
0x219: {  	[hbm4b:s4+s3] =	stream.linear.scatter @!p1 [tilespmem:s0], [sflag:$0x5], $0x40, $0x38;
	[tilespmem:$0x1EF88] =	vst v63  }
0x21a: {  	s5 =	simm.s32 @!p1 $0x100;
	s3 =	simm.s32 $0x0;
	s4 =	simm.s32 $0xA11A  }
.LBB2_40:
0x21b: {  	v0 =	vld.msk [tilespmem:s4+$0x0], $0x1;
	s2 =	sadd.s32 $0xFFFFFFFF, s2;
	s3 =	sadd.s32 s3, s5  }
0x21c: {  	p1 =	sne.s32 s2, $0x0;
	_ =	sdelay $0x3  }
0x21d: {  	(v2sf) =	vpush v0, $0x0;
	_ =	sdelay $0xe  }
.Ltmp31:
0x21e: {  	s6 =	spop (v2sf);
	(pc) =	sbr.rel @p1 .LBB2_40-.Ltmp31, $4  }
0x21f: {  	s5 =	simm.s32 $0x0;
	p2 =	sgt.u32 s6, $0x270F8  }
0x220: {  	s0 =	sadd.s32 $0x40, s0;
	s5 =	simm.s32 @!p2 $0x100;
	s7 =	sand.u32 @!p2 $0x3FFF8, s6  }
0x221: {  	s4 =	sadd.s32 $0x1, s4;
	s6 =	sand.u32 @!p2 $0x7, s6;
	s7 =	sadd.s32 @!p2 s1, s7  }
0x222: {  	[hbm4b:s7+s6] =	stream.linear.scatter @!p2 [tilespmem:s0], [sflag:$0x5], $0x40, $0x38;
	[tilespmem:$0x1EF88] =	vst v63  }
.LBB2_41:
0x223: {  	s0 =	sadd.s32 s3, s5  }
0x224: {  	s0 =	sshrl.u32 s0, $0x2  }
.LBB2_42:
0x225: {  	s2 =	simm.s32 $0x5  }
0x226: {  	_ =	swait.ge [sflag:s2], s0  }
0x227: {  	s31 =	ssub.s32 $0x0, s0;
	[sflag:s2] =	ssyncset.done $0x0  }
0x228: {  	[sflag:s2] =	ssyncadd.s32 s31  }
0x229: {  	[sflag:s2] =	ssyncpa.u1 $0x1  }
.LBB2_43:
0x22a: {  	s0 =	sor.u32 s13, s14  }
0x22b: {  	p1 =	sne.s32 s0, $0x0  }
.Ltmp32:
0x22c: {  	_ = 	snop;
	(pc) =	sbr.rel @p1 .LBB2_58-.Ltmp32, $3  }
0x22d: {  	_ =	sdelay $0x1  }
0x22e: {  	[bflag:$0x0] =	sbarrier.arrive $0xFFFF  }
0x22f: {  	_ =	sfence  }
0x230: {  	s2 =	simm.s32 $0x7  }
0x231: {  	s0 =	simm.s32 $0x800;
	s3 =	simm.s32 $0xA118;
	[sflag:s2] =	ssyncpa.u1 $0x0  }
0x232: {  	[tilespmem:s3], [sflag:$0x7] =	stream.linear.gather [spmem:s0], $0x20, $0x38;
	[tilespmem:$0x1EF88] =	vst v63  }
0x233: {  	s30 =	simm.s32 $0xA138;
	s0 =	simm.s32 $0x0  }
0x234: {  	[tilespmem:s30], [sflag:$0x7] =	stream.linear.gather [spmem:s0], $0x800, $0x38;
	[tilespmem:$0x1EF88] =	vst v63  }
.Ltmp33:
0x235: {  	_ = 	snop;
	(pc) =	sbr.rel .LBB2_45-.Ltmp33, $4  }
0x236: {  	_ =	swait.ge [sflag:s2], $0x820  }
0x237: {  	[sflag:s2] =	ssyncset.done $0x0  }
0x238: {  	s31 =	simm.s32 $0x8;
	[sflag:s2] =	ssyncadd.s32 $0xFFFFF7E0  }
0x239: {  	s2 =	simm.s32 $0x0;
	[sflag:s31] =	ssyncpa.u1 $0x0  }
.LBB2_51:
0x23a: {  	p1 =	slt.u32 s3, $0x270F9  }
0x23b: {  	s4 =	sand.u32 @p1 $0x3FFF8, s3  }
0x23c: {  	s3 =	sand.u32 @p1 $0x7, s3;
	s5 =	simm.s32 @p1 $0xA0C8;
	s4 =	sadd.s32 @p1 s1, s4  }
0x23d: {  	[tilespmem:s5], [sflag:$0x8] =	stream.linear.gather @p1 [hbm4b:s4+s3], $0x40, $0x38;
	[tilespmem:$0x1EF88] =	vst v63  }
0x23e: {  	s3 =	simm.s32 @p1 $0x8  }
0x23f: {  	_ =	swait.ge @p1 [sflag:s3], $0x40  }
0x240: {  	[sflag:s3] =	ssyncset.done @p1 $0x0  }
0x241: {  	[sflag:s3] =	ssyncadd.s32 @p1 $0xFFFFFFC0  }
0x242: {  	v1 =	vld @p1 [tilespmem:$0xA0C8];
	_ =	sdelay $0x2  }
0x243: {  	s3 =	sshll.u32 @p1 s2, $0x8  }
0x244: {  	s4 =	sshrl.u32 @p1 s3, $0x2  }
0x245: {  	[tilespmem:s4+$0xA138] =	vst.add.f32.msk @p1 $0xffff, v1  }
0x246: {  	v1 =	vld @p1 [tilespmem:$0xA0D8];
	_ =	sdelay $0x4  }
0x247: {  	[tilespmem:s4+$0xA148] =	vst.add.f32.msk @p1 $0xffff, v1  }
0x248: {  	v1 =	vld @p1 [tilespmem:$0xA0E8];
	_ =	sdelay $0x4  }
0x249: {  	[tilespmem:s4+$0xA158] =	vst.add.f32.msk @p1 $0xffff, v1  }
0x24a: {  	v1 =	vld @p1 [tilespmem:$0xA0F8];
	_ =	sdelay $0x3  }
0x24b: {  	s5 =	sshll.u32 @!p1 s2, $0x8  }
0x24c: {  	s5 =	smov.u32 @p1 s3;
	[tilespmem:s4+$0xA168] =	vst.add.f32.msk @p1 $0xffff, v1  }
0x24d: {  	s3 =	sshrl.u32 s5, $0x2;
	[tilespmem:s0+$0xA118] =	vst.msk $0x1, v0  }
0x24e: {  	v0 =	vld [tilespmem:s3+$0xA138];
	_ =	sdelay $0x2  }
0x24f: {  	s31 =	sshll.u32 s0, $0x8  }
0x250: {  	s4 =	sshra.s32 s31, $0x2  }
0x251: {  	[tilespmem:s4+$0xA138] =	vst v0  }
0x252: {  	v0 =	vld [tilespmem:s3+$0xA148];
	_ =	sdelay $0x4  }
0x253: {  	[tilespmem:s4+$0xA148] =	vst v0  }
0x254: {  	v0 =	vld [tilespmem:s3+$0xA158];
	_ =	sdelay $0x4  }
0x255: {  	[tilespmem:s4+$0xA158] =	vst v0  }
0x256: {  	v0 =	vld [tilespmem:s3+$0xA168];
	_ =	sdelay $0x4  }
0x257: {  	s0 =	sadd.s32 $0x1, s0;
	[tilespmem:s4+$0xA168] =	vst v0  }
.LBB2_52:
0x258: {  	s2 =	sadd.s32 $0x1, s2  }
0x259: {  	p1 =	sne.s32 s2, $0x20  }
.Ltmp34:
0x25a: {  	_ = 	snop;
	(pc) =	sbr.rel @!p1 .LBB2_53-.Ltmp34, $1  }
0x25b: {  	_ =	sdelay $0x3  }
.LBB2_45:
0x25c: {  	v0 =	vld.msk [tilespmem:s2+$0xA118], $0x1;
	_ =	sdelay $0x4  }
0x25d: {  	(v2sf) =	vpush v0, $0x0;
	_ =	sdelay $0xe  }
0x25e: {  	s3 =	spop (v2sf)  }
0x25f: {  	p1 =	seq.s32 s3, $0xFFFFFFFF  }
.Ltmp35:
0x260: {  	_ = 	snop;
	(pc) =	sbr.rel @p1 .LBB2_52-.Ltmp35, $1  }
0x261: {  	_ =	sdelay $0x3  }
0x262: {  	p1 =	slt.s32 s0, $0x1  }
.Ltmp36:
0x263: {  	_ = 	snop;
	(pc) =	sbr.rel @p1 .LBB2_51-.Ltmp36, $1  }
0x264: {  	_ =	sdelay $0x3  }
0x265: {  	s4 =	simm.s32 $0xA118;
	p1 =	por $0x0, $0x0  }
0x266: {  	v1 =	vld.msk @!p1 [tilespmem:s4+$0x0], $0x1;
	_ =	sdelay $0x4  }
0x267: {  	(v2sf) =	vpush @!p1 v1, $0x0;
	_ =	sdelay $0xd  }
0x268: {  	p3 =	sne.s32 s0, $0x1  }
.Ltmp37:
0x269: {  	s5 =	spop @!p1 (v2sf);
	(pc) =	sbr.rel @!p3 .LBB2_49-.Ltmp37, $4  }
0x26a: {  	p2 =	seq.s32 @!p1 s3, s5  }
0x26b: {  	s5 =	simm.s32 $0x0;
	p2 =	por !p2, p1  }
0x26c: {  	s7 =	simm.s32 $0xFFFFFFFF;
	s5 =	simm.s32 @p2 $0xFFFFFFFF  }
0x26d: {  	s6 =	simm.s32 $0x1;
	s5 =	smov.u32 @p1 s7  }
.LBB2_48:
0x26e: {  	s7 =	smov.u32 s5;
	p1 =	sne.s32 s5, $0xFFFFFFFF  }
0x26f: {  	s4 =	sadd.s32 $0x1, s4;
	s5 =	smov.u32 s6;
	s6 =	sadd.s32 $0x1, s6  }
0x270: {  	p2 =	sne.s32 s0, s6;
	v1 =	vld.msk @!p1 [tilespmem:s4+$0x0], $0x1;
	_ =	sdelay $0x4  }
0x271: {  	(v2sf) =	vpush @!p1 v1, $0x0;
	_ =	sdelay $0xe  }
.Ltmp38:
0x272: {  	s8 =	spop @!p1 (v2sf);
	(pc) =	sbr.rel @p2 .LBB2_48-.Ltmp38, $4  }
0x273: {  	p3 =	seq.s32 @!p1 s3, s8  }
0x274: {  	p3 =	por !p3, p1  }
0x275: {  	s5 =	simm.s32 @p3 $0xFFFFFFFF  }
0x276: {  	s5 =	smov.u32 @p1 s7  }
.LBB2_49:
0x277: {  	p1 =	seq.s32 s5, $0xFFFFFFFF  }
.Ltmp39:
0x278: {  	_ = 	snop;
	(pc) =	sbr.rel @p1 .LBB2_51-.Ltmp39, $1  }
0x279: {  	_ =	sdelay $0x3  }
0x27a: {  	s3 =	sshll.u32 s2, $0x6  }
0x27b: {  	s3 =	sand.u32 $0x3FFFFFC0, s3  }
0x27c: {  	v0 =	vld [tilespmem:s3+$0xA138];
	_ =	sdelay $0x2  }
0x27d: {  	s4 =	sshll.u32 s5, $0x8  }
0x27e: {  	s4 =	sshra.s32 s4, $0x2  }
0x27f: {  	[tilespmem:s4+$0xA138] =	vst.add.f32.msk $0xffff, v0  }
0x280: {  	v0 =	vld [tilespmem:s3+$0xA148];
	_ =	sdelay $0x4  }
0x281: {  	[tilespmem:s4+$0xA148] =	vst.add.f32.msk $0xffff, v0  }
0x282: {  	v0 =	vld [tilespmem:s3+$0xA158];
	_ =	sdelay $0x4  }
0x283: {  	[tilespmem:s4+$0xA158] =	vst.add.f32.msk $0xffff, v0  }
0x284: {  	v0 =	vld [tilespmem:s3+$0xA168]  }
.Ltmp40:
0x285: {  	_ = 	snop;
	(pc) =	sbr.rel .LBB2_52-.Ltmp40, $2  }
0x286: {  	_ =	sdelay $0x2  }
0x287: {  	[tilespmem:s4+$0xA168] =	vst.add.f32.msk $0xffff, v0  }
.LBB2_53:
0x288: {  	p1 =	slt.s32 s0, $0x1  }
.Ltmp41:
0x289: {  	_ = 	snop;
	(pc) =	sbr.rel @p1 .LBB2_57-.Ltmp41, $3  }
0x28a: {  	_ =	sdelay $0x1  }
0x28b: {  	s2 =	simm.s32 $0x8  }
0x28c: {  	[sflag:s2] =	ssyncpa.u1 $0x1;
	s2 =	simm.s32 $0x0  }
0x28d: {  	s3 =	simm.s32 $0xA118  }
0x28e: {  	v0 =	vld.msk [tilespmem:s3+$0x0], $0x1;
	_ =	sdelay $0x4  }
0x28f: {  	(v2sf) =	vpush v0, $0x0;
	_ =	sdelay $0xe  }
0x290: {  	s0 =	sadd.s32 $0xFFFFFFFF, s0;
	s4 =	spop (v2sf)  }
0x291: {  	p2 =	sne.s32 s0, $0x0;
	p1 =	sgt.u32 s4, $0x270F8  }
.Ltmp42:
0x292: {  	s5 =	sand.u32 @!p1 $0x3FFF8, s4;
	(pc) =	sbr.rel @!p2 .LBB2_56-.Ltmp42, $4  }
0x293: {  	s3 =	simm.s32 $0xA138;
	s4 =	sand.u32 @!p1 $0x7, s4;
	s5 =	sadd.s32 @!p1 s1, s5  }
0x294: {  	[hbm4b:s5+s4] =	stream.linear.scatter @!p1 [tilespmem:s3], [sflag:$0x7], $0x40, $0x38;
	[tilespmem:$0x1EF88] =	vst v63  }
0x295: {  	s5 =	simm.s32 $0x0  }
0x296: {  	s4 =	simm.s32 $0xA119;
	s5 =	simm.s32 @!p1 $0x100  }
.LBB2_55:
0x297: {  	v0 =	vld.msk [tilespmem:s4+$0x0], $0x1;
	s0 =	sadd.s32 $0xFFFFFFFF, s0;
	s2 =	sadd.s32 s2, s5  }
0x298: {  	p1 =	sne.s32 s0, $0x0;
	_ =	sdelay $0x3  }
0x299: {  	(v2sf) =	vpush v0, $0x0;
	_ =	sdelay $0xe  }
.Ltmp43:
0x29a: {  	s6 =	spop (v2sf);
	(pc) =	sbr.rel @p1 .LBB2_55-.Ltmp43, $4  }
0x29b: {  	s5 =	simm.s32 $0x0;
	p2 =	sgt.u32 s6, $0x270F8  }
0x29c: {  	s3 =	sadd.s32 $0x40, s3;
	s5 =	simm.s32 @!p2 $0x100;
	s7 =	sand.u32 @!p2 $0x3FFF8, s6  }
0x29d: {  	s4 =	sadd.s32 $0x1, s4;
	s6 =	sand.u32 @!p2 $0x7, s6;
	s7 =	sadd.s32 @!p2 s1, s7  }
0x29e: {  	[hbm4b:s7+s6] =	stream.linear.scatter @!p2 [tilespmem:s3], [sflag:$0x7], $0x40, $0x38;
	[tilespmem:$0x1EF88] =	vst v63  }
.LBB2_56:
0x29f: {  	s0 =	sadd.s32 s2, s5  }
0x2a0: {  	s2 =	sshrl.u32 s0, $0x2  }
.LBB2_57:
0x2a1: {  	s0 =	simm.s32 $0x7  }
0x2a2: {  	_ =	swait.ge [sflag:s0], s2  }
0x2a3: {  	s1 =	ssub.s32 $0x0, s2;
	[sflag:s0] =	ssyncset.done $0x0  }
0x2a4: {  	[sflag:s0] =	ssyncadd.s32 s1  }
0x2a5: {  	[sflag:s0] =	ssyncpa.u1 $0x1  }
.LBB2_58:
0x2a6: {  	_ =	sfence;
	s0 =	simm.s32 $0x1  }
0x2a7: {  	[sflag:s0] =	ssyncpa.u1 $0x1  }
0x2a8: {  	_ =	strace $0x9000004A  }
0x2a9: {  	[bflag:$0x2] =	sbarrier.arrive $0xFFFF  }
0x2aa: {  	s0 =	rddreg [dreg:$0x4]  }
0x2ab: {  	s0 =	sadd.s32 @!p0 $0x100000, s0  }
0x2ac: {  	[sflag:s0] =	ssyncadd.tile.s32 @!p0 $0x1;
	_ =	shalt  }
.Lfunc_end2:
_tile_overlayer_lowered:
.L_overlay_start_2:
0x2ad: {  	(tag) =	ssettag $0x2  }
0x2ae: {  	s0 =	rddreg [dreg:$0x0];
	s2 =	stileid.u32  }
0x2af: {  	s1 =	rddreg [dreg:$0x1];
	p0 =	sne.s32 s2, $0x0  }
0x2b0: {  	s3 =	rddreg [dreg:$0x2];
	[bflag:$0x3] =	sbarrier.arrive $0xFFFF;
	s2 =	simm.s32 @!p0 $0x1C01  }
0x2b1: {  	[timem:s3], [sflag:s2] =	dma.local @!p0 [hbm:s0], s1  }
0x2b2: {  	s0 =	simm.s32 @!p0 $0x1  }
0x2b3: {  	_ =	swait.ge @!p0 [sflag:s0], s1  }
0x2b4: {  	s1 =	ssub.s32 @!p0 $0x0, s1;
	[sflag:s0] =	ssyncset.done @!p0 $0x0  }
0x2b5: {  	[sflag:s0] =	ssyncadd.s32 @!p0 s1  }
0x2b6: {  	[bflag:$0x3] =	sbarrier.arrive $0xFFFF  }
0x2b7: {  	_ =	shalt  }

// kernel: scatter_offload_async_start.2
scs
__scs_entry_jumppad:
0x0: {  	(pc) =	sbr.rel $0x88, $3  }
0x1: {  	(tag) =	ssettag $0x0;
	lr =	simm.s32 $0x1  }
0x2: {  	[smem:$0x3F97] =	sst lr;
	_ =	strace $0xD0000000  }
0x3: {  	_ = 	snop  }
0x4: {  	_ = 	snop  }
0x5: {  	_ = 	snop  }
0x6: {  	_ = 	snop  }
0x7: {  	_ = 	snop  }
__scs_overlays_trampoline_lowered:
0x8: {  	[smem:$0x3FA6] =	sst s0  }
0x9: {  	[smem:$0x3FA7] =	sst s1  }
0xa: {  	[smem:$0x3FA8] =	sst s2  }
0xb: {  	[smem:$0x3FA9] =	sst s3  }
0xc: {  	[smem:$0x3FAA] =	sst s4  }
0xd: {  	[smem:$0x3FAB] =	sst s5  }
0xe: {  	[smem:$0x3FAC] =	sst s6  }
0xf: {  	[smem:$0x3FAD] =	sst s7  }
0x10: {  	[smem:$0x3FAE] =	sst s8  }
0x11: {  	[smem:$0x3FAF] =	sst s9;
	s0 =	simm.s32 @!p0 $0x0  }
0x12: {  	s1 =	sld [smem:$0x3F95];
	s0 =	simm.s32 @p0 $0x1  }
0x13: {  	[smem:$0x3FB0] =	sst s0;
	s0 =	simm.s32 @!p1 $0x0  }
0x14: {  	s2 =	sld [smem:$0x3F94];
	s0 =	simm.s32 @p1 $0x1  }
0x15: {  	[smem:$0x3FB1] =	sst s0;
	s0 =	simm.s32 @!p2 $0x0  }
0x16: {  	s3 =	sld [smem:$0x3FDB];
	s0 =	simm.s32 @p2 $0x1  }
0x17: {  	s4 =	simm.s32 $0x1BF5;
	[smem:$0x3FB3] =	sst s0  }
0x18: {  	s0 =	sld [smem:$0x3F96];
	_ =	swait.ge [sflag:s4], $0x0  }
0x19: {  	s7 =	sld [smem:$0x3F97]  }
0x1a: {  	s8 =	sadd.s32 $0xFFFFE003, lr  }
0x1b: {  	s9 =	sadd.s32 $0xFFFFFEF7, lr;
	s5 =	simm.s32 $0xFFFFFFFF;
	p2 =	slt.u32 s8, $0xFFFFF086  }
0x1c: {  	p1 =	slt.u32 s9, $0xF7A;
	s5 =	simm.s32 @!p2 $0x0  }
0x1d: {  	s5 =	simm.s32 @p1 $0x1;
	p0 =	seq.s32 s7, s2  }
0x1e: {  	s7 =	smul.u32 @!p0 $0xF7A, s2;
	p2 =	seq.s32 @!p0 s5, $0x0  }
0x1f: {  	s9 =	smul.u32 $0xF7A, s1;
	s8 =	simm.s32 @!p0 $0x1BF5;
	p2 =	por !p2, p0  }
0x20: {  	[sflag:s8] =	ssyncset.s32 @!p0 $0xFFFFF086;
	s6 =	sadd.s32 @!p0 s3, s7;
	s7 =	simm.s32 @!p0 $0x108  }
0x21: {  	s3 =	sadd.s32 s3, s9;
	s6 =	sadd.s32 @!p0 $0x88, s6;
	s7 =	simm.s32 @p2 $0x1082  }
0x22: {  	[simem:s7], [sflag:s8] =	dma.local @!p0 [hbm:s6], $0xF7A  }
0x23: {  	s9 =	sor.u32 $0xD0000000, s2;
	s6 =	simm.s32 $0x108;
	_ =	swait.ge @!p0 [sflag:s8], $0x0  }
0x24: {  	s3 =	sadd.s32 $0x88, s3;
	s6 =	simm.s32 @!p1 $0x1082;
	[sflag:s4] =	ssyncset.s32 $0xFFFFF086  }
0x25: {  	[simem:s6], [sflag:s4] =	dma.local [hbm:s3], $0xF7A  }
0x26: {  	[smem:$0x3F97] =	sst s1;
	(tag) =	ssettag s2;
	_ =	strace s9  }
0x27: {  	s1 =	sld [smem:$0x3FA7]  }
0x28: {  	s2 =	sld [smem:$0x3FA8]  }
0x29: {  	s4 =	sld [smem:$0x3FAA]  }
0x2a: {  	p0 =	seq.s32 s5, $0x0;
	s5 =	sld [smem:$0x3FAB]  }
0x2b: {  	s6 =	sld [smem:$0x3FAC]  }
0x2c: {  	s7 =	sld [smem:$0x3FAD]  }
0x2d: {  	s3 =	simm.s32 $0x108;
	s8 =	sld [smem:$0x3FAE]  }
0x2e: {  	s3 =	simm.s32 @!p0 $0x1082;
	s9 =	sld [smem:$0x3FAF]  }
0x2f: {  	lr =	sadd.s32 s0, s3;
	s0 =	sld [smem:$0x3FA6]  }
0x30: {  	s3 =	sld [smem:$0x3FA9]  }
0x31: {  	[smem:$0x3FB2] =	sst s10  }
0x32: {  	s10 =	sld [smem:$0x3FB0];
	_ =	sdelay $0x3  }
0x33: {  	p0 =	seq.s32 s10, $0x1;
	s10 =	sld [smem:$0x3FB2];
	_ =	sdelay $0x3  }
0x34: {  	[smem:$0x3FB2] =	sst s10  }
0x35: {  	s10 =	sld [smem:$0x3FB1];
	_ =	sdelay $0x3  }
0x36: {  	p1 =	seq.s32 s10, $0x1;
	s10 =	sld [smem:$0x3FB2];
	_ =	sdelay $0x3  }
0x37: {  	[smem:$0x3FB2] =	sst s10  }
0x38: {  	s10 =	sld [smem:$0x3FB3]  }
0x39: {  	_ = 	snop;
	(pc) =	sbr.ind lr, $3  }
0x3a: {  	_ = 	snop  }
0x3b: {  	_ = 	snop  }
0x3c: {  	p2 =	seq.s32 s10, $0x1;
	s10 =	sld [smem:$0x3FB2]  }
0x3d: {  	_ =	shalt  }
0x3e: {  	_ =	shalt  }
0x3f: {  	_ =	shalt  }
0x40: {  	_ =	shalt  }
0x41: {  	_ =	shalt  }
0x42: {  	_ =	shalt  }
0x43: {  	_ =	shalt  }
0x44: {  	_ =	shalt  }
0x45: {  	_ =	shalt  }
0x46: {  	_ =	shalt  }
0x47: {  	_ =	shalt  }
0x48: {  	_ =	shalt  }
0x49: {  	_ =	shalt  }
0x4a: {  	_ =	shalt  }
0x4b: {  	_ =	shalt  }
0x4c: {  	_ =	shalt  }
0x4d: {  	_ =	shalt  }
0x4e: {  	_ =	shalt  }
0x4f: {  	_ =	shalt  }
0x50: {  	_ =	shalt  }
0x51: {  	_ =	shalt  }
0x52: {  	_ =	shalt  }
0x53: {  	_ =	shalt  }
0x54: {  	_ =	shalt  }
0x55: {  	_ =	shalt  }
0x56: {  	_ =	shalt  }
0x57: {  	_ =	shalt  }
0x58: {  	_ =	shalt  }
0x59: {  	_ =	shalt  }
0x5a: {  	_ =	shalt  }
0x5b: {  	_ =	shalt  }
0x5c: {  	_ =	shalt  }
0x5d: {  	_ =	shalt  }
0x5e: {  	_ =	shalt  }
0x5f: {  	_ =	shalt  }
0x60: {  	_ =	shalt  }
0x61: {  	_ =	shalt  }
0x62: {  	_ =	shalt  }
0x63: {  	_ =	shalt  }
0x64: {  	_ =	shalt  }
0x65: {  	_ =	shalt  }
0x66: {  	_ =	shalt  }
0x67: {  	_ =	shalt  }
0x68: {  	_ =	shalt  }
0x69: {  	_ =	shalt  }
0x6a: {  	_ =	shalt  }
0x6b: {  	_ =	shalt  }
0x6c: {  	_ =	shalt  }
0x6d: {  	_ =	shalt  }
0x6e: {  	_ =	shalt  }
0x6f: {  	_ =	shalt  }
0x70: {  	_ =	shalt  }
0x71: {  	_ =	shalt  }
0x72: {  	_ =	shalt  }
0x73: {  	_ =	shalt  }
0x74: {  	_ =	shalt  }
0x75: {  	_ =	shalt  }
0x76: {  	_ =	shalt  }
0x77: {  	_ =	shalt  }
0x78: {  	_ =	shalt  }
0x79: {  	_ =	shalt  }
0x7a: {  	_ =	shalt  }
0x7b: {  	_ =	shalt  }
0x7c: {  	_ =	shalt  }
0x7d: {  	_ =	shalt  }
0x7e: {  	_ =	shalt  }
0x7f: {  	_ =	shalt  }
0x80: {  	_ =	shalt  }
0x81: {  	_ =	shalt  }
0x82: {  	_ =	shalt  }
0x83: {  	_ =	shalt  }
0x84: {  	_ =	shalt  }
0x85: {  	_ =	shalt  }
0x86: {  	_ =	shalt  }
0x87: {  	_ =	shalt  }
.Lfunc_end0:
.L_simem_size_0:
called_computation.2_lowered:
.L_overlay_start_0:
0x88: {  	s2 =	sld [smem:$0x3FD9]  }
0x89: {  	s3 =	sld [smem:$0x3FFE];
	_ =	sdelay $0x1  }
0x8a: {  	s1 =	srdreg.scid  }
0x8b: {  	s0 =	sand.u32 $0x1, s1  }
0x8c: {  	s13 =	sshll.u32 s0, $0xA;
	s2 =	sadd.s32 s3, s2  }
0x8d: {  	s2 =	sadd.s32 s2, s13  }
0x8e: {  	[smem:$0x3FBE] =	sst s2  }
0x8f: {  	_ = 	snop  }
0x90: {  	s2 =	sld [smem:$0x3FD0];
	_ =	sdelay $0x2  }
0x91: {  	s14 =	simm.s32 $0xA;
	s4 =	simm.s32 $0x10  }
0x92: {  	[smem:s4], [sflag:s14] =	dma.local [hbm:s2], $0x1  }
0x93: {  	_ =	swait.eq [sflag:s14], $0x1  }
0x94: {  	[sflag:s14] =	ssyncset.done $0x0  }
0x95: {  	[sflag:s14] =	ssyncadd.s32 $0xFFFFFFFF  }
0x96: {  	s15 =	sld [smem:$0x10];
	(tm) =	ssettm $0x1  }
0x97: {  	s16 =	sld [smem:$0x3FFB];
	_ =	sdelay $0x3  }
0x98: {  	_ =	strace s16  }
0x99: {  	s3 =	sld [smem:$0x3FFC];
	_ =	sdelay $0x3  }
0x9a: {  	_ =	strace s3  }
0x9b: {  	s3 =	sld [smem:$0x3FFD];
	_ =	sdelay $0x3  }
0x9c: {  	_ =	strace s3  }
0x9d: {  	_ =	strace $0x8FFFFFFF  }
0x9e: {  	s17 =	sld [smem:$0x3FDB];
	_ =	sdelay $0x1  }
0x9f: {  	s18 =	simm.s32 $_scs_section_size  }
0xa0: {  	s5 =	simm.s32 $_size__tile_overlayer_lowered;
	s6 =	simm.s32 $_tile_overlayer_lowered  }
0xa1: {  	s21 =	simm.s32 $0x1BFF;
	s20 =	sshll.u32 s6, $0x1;
	s3 =	sadd.s32 s18, s17  }
0xa2: {  	s7 =	simm.s32 $0x0;
	s19 =	sshll.u32 s5, $0x1;
	s5 =	sadd.s32 s20, s3  }
0xa3: {  	[timem:s7], [sflag:s21] =	dma.local [hbm:s5], s19  }
0xa4: {  	_ =	swait.ge [sflag:s21], s19  }
0xa5: {  	s4 =	ssub.s32 $0x0, s19;
	[sflag:s21] =	ssyncset.done $0x0  }
0xa6: {  	[sflag:s21] =	ssyncadd.s32 s4;
	_ =	sdelay $0x1  }
0xa7: {  	s22 =	simm.s32 $0x1B8B  }
0xa8: {  	_ =	swait.ge [sflag:s22], $0x1  }
0xa9: {  	[sflag:s22] =	ssyncset.done $0x0  }
0xaa: {  	s23 =	sld [smem:$0x3FFE];
	[sflag:s22] =	ssyncadd.s32 $0xFFFFFFFF  }
0xab: {  	s25 =	simm.s32 $0x1B8E;
	s24 =	sld [smem:$0x0]  }
0xac: {  	s26 =	simm.s32 $execute0_lowered;
	[smem:$0x3FD2] =	sst s25  }
0xad: {  	s6 =	sshll.u32 s26, $0x1;
	_ =	strace $0x8000004C;
	[dreg:$0x1] =	wrdreg $0xFFFFFFFF  }
0xae: {  	s28 =	simm.s32 $_size_execute0_lowered;
	s3 =	sadd.s32 s3, s6;
	[dreg:$0x0] =	wrdreg $0x0  }
0xaf: {  	s6 =	sshll.u32 s28, $0x1;
	[dreg:$0x2] =	wrdreg s3  }
0xb0: {  	[dreg:$0x3] =	wrdreg s6  }
0xb1: {  	[dreg:$0x4] =	wrdreg $0xC0  }
0xb2: {  	_ =	task [dreg:s7], $0x5FFFF  }
0xb3: {  	[dreg:$0x1] =	wrdreg $0xFFFFFFFF  }
0xb4: {  	[dreg:$0x0] =	wrdreg $0x60  }
0xb5: {  	[dreg:$0x2] =	wrdreg s23  }
0xb6: {  	[dreg:$0x3] =	wrdreg s15  }
0xb7: {  	[dreg:$0x4] =	wrdreg s1  }
0xb8: {  	[dreg:$0x5] =	wrdreg s24  }
0xb9: {  	[dreg:$0x6] =	wrdreg $0x9  }
0xba: {  	_ =	task.clear_ibuf [dreg:s7], $0x7FFFF;
	_ =	strace $0x9000004C  }
0xbb: {  	s29 =	simm.s32 $0x9;
	_ =	strace $0x8000004E  }
0xbc: {  	_ =	swait.ge [sflag:s29], $0x1  }
0xbd: {  	[sflag:s29] =	ssyncadd.s32 $0xFFFFFFFF  }
0xbe: {  	_ =	strace $0x9000004E  }
0xbf: {  	_ =	sfence  }
0xc0: {  	s30 =	sld [smem:$0x0];
	_ =	sdelay $0x2  }
0xc1: {  	s31 =	sshll.u32 s1, $0xD;
	s1 =	sshrl.u32 s1, $0x2  }
0xc2: {  	s3 =	sand.u32 $0x4000, s31;
	s1 =	sadd.s32 s1, s30  }
0xc3: {  	s0 =	sor.u32 s3, s0;
	s1 =	sshll.u32 s1, $0x11  }
0xc4: {  	s0 =	sor.u32 s1, s0  }
0xc5: {  	s0 =	sadd.s32 $0x8F2B, s0  }
0xc6: {  	[sflag:s0] =	ssyncadd.remote.s32 $0x1  }
0xc7: {  	_ =	sfence.sel $0xFFFF  }
0xc8: {  	[dreg:$0x0] =	wrdreg $0xFFFFFFFF;
	(pc) =	sbr.abs _section_cstart, $3  }
0xc9: {  	[dreg:$0x1] =	wrdreg $0xFFFFFFFF  }
0xca: {  	_ =	task.clear_ibuf [dreg:s7], $0x2FFFF;
	_ =	strace $0x9FFFFFFF  }
0xcb: {  	(tm) =	ssettm $0x7FFFFFFF  }
tec
execute0_lowered:
.L_overlay_start_1:
0x0: {  	(tag) =	ssettag $0x1  }
0x1: {  	s2 =	rddreg [dreg:$0x0]  }
0x2: {  	s6 =	rddreg [dreg:$0x1]  }
0x3: {  	s4 =	rddreg [dreg:$0x2];
	_ =	strace $0x8000004D;
	s0 =	simm.s32 $0x1  }
0x4: {  	s3 =	simm.s32 $0x88;
	v0 =	vimm.s32 $0x0;
	[sflag:s0] =	ssyncpa.u1 $0x0  }
0x5: {  	[tilespmem:s3+$0x30] =	vst v0  }
0x6: {  	s1 =	sadd.s32 $0x45800, s2;
	s0 =	sadd.s32 $0x1E000, s2;
	[tilespmem:s3+$0x20] =	vst v0  }
0x7: {  	s2 =	sadd.s32 $0x27E00, s2;
	s7 =	sand.u32 $0x1, s4;
	s4 =	simm.s32 $0x40;
	[tilespmem:s3+$0x10] =	vst v0  }
.LBB2_1:
0x8: {  	s4 =	sadd.s32 $0x40, s4  }
0x9: {  	[tilespmem:s3+$0x0] =	vst v0;
	s3 =	sadd.s32 $0x40, s3;
	p0 =	slt.u32 s4, $0x5040  }
.Ltmp0:
0xa: {  	(pc) =	sbr.rel @p0 .LBB2_1-.Ltmp0, $4  }
0xb: {  	_ = 	snop  }
0xc: {  	[tilespmem:s3+$0x30] =	vst v0  }
0xd: {  	[tilespmem:s3+$0x20] =	vst v0  }
0xe: {  	[tilespmem:s3+$0x10] =	vst v0  }
0xf: {  	s8 =	stileid.u32  }
0x10: {  	s4 =	smul.u32 $0x1F, s8  }
0x11: {  	s5 =	smin.u32 s8, $0x4  }
0x12: {  	s4 =	sadd.s32 s5, s4  }
0x13: {  	p0 =	slt.u32 s8, $0x4;
	s12 =	smul.u32 $0x140, s4;
	s4 =	simm.s32 $0x2800  }
0x14: {  	s4 =	simm.s32 @!p0 $0x26C0  }
0x15: {  	s25 =	simm.s32 $0x2;
	s4 =	sadd.s32 s4, s12  }
0x16: {  	s28 =	simm.s32 $0x9;
	s9 =	simm.s32 $0xA;
	s14 =	smin.u32 s4, $0x27100  }
0x17: {  	s30 =	simm.s32 $0xB;
	[dreg:$0x5] =	wrdreg s7;
	s4 =	ssub.s32 s14, s12  }
0x18: {  	s31 =	smul.u32 $0x4E20, s7;
	s13 =	simm.s32 $0x1;
	p0 =	sgt.s32 s4, $0x0  }
0x19: {  	s19 =	simm.s32 $0x0;
	s20 =	simm.s32 $0xA808;
	s4 =	simm.s32 @!p0 $0x0  }
0x1a: {  	s21 =	simm.s32 $0xFFFFFFFF;
	p1 =	por $0x0, $0x0;
	s26 =	smulhi.u32 $0x66666667, s4  }
0x1b: {  	[tilespmem:s3+$0x0] =	vst v0;
	s23 =	simm.s32 $0x0;
	[sflag:s25] =	ssyncpa.u1 $0x0;
	s18 =	sshll.u32 s8, $0x7  }
0x1c: {  	s0 =	sadd.s32 s31, s0;
	[dreg:$0xb] =	wrdreg s18;
	s3 =	sshrl.u32 s26, $0x7  }
0x1d: {  	v0 =	vimm.s32 $0xFFFFFFFF;
	s17 =	sadd.s32 s31, s2;
	[dreg:$0xa] =	wrdreg s0;
	s29 =	smul.u32 $0x140, s3  }
0x1e: {  	s25 =	simm.s32 $0x0;
	[tilespmem:$0xA108] =	vst v0;
	[sflag:s28] =	ssyncpa.u1 $0x0;
	[dreg:$0x9] =	wrdreg s17  }
.Ltmp1:
0x1f: {  	p0 =	sne.s32 s4, s29;
	s4 =	simm.s32 $0x1;
	(pc) =	sbr.rel .LBB2_3-.Ltmp1, $4  }
0x20: {  	[sflag:s9] =	ssyncpa.u1 $0x0;
	[dreg:$0x6] =	wrdreg s12;
	s4 =	simm.s32 @!p0 $0x0  }
0x21: {  	[sflag:s30] =	ssyncpa.u1 $0x0;
	[dreg:$0x7] =	wrdreg s14;
	s15 =	sadd.s32 s4, s3  }
0x22: {  	s24 =	smov.u32 s12;
	s22 =	sadd.s32 $0x1, s15;
	[dreg:$0x8] =	wrdreg s15  }
0x23: {  	v0 =	vlaneseq.u32;
	s26 =	simm.s32 $0x0;
	p0 =	por $0x1, $0x1;
	[dreg:$0xc] =	wrdreg s22  }
.LBB2_22:
0x24: {  	s0 =	sshrl.u32 s3, $0x2  }
.LBB2_24:
0x25: {  	s3 =	simm.s32 $0xC  }
0x26: {  	_ =	swait.ge [sflag:s3], s0  }
0x27: {  	s31 =	ssub.s32 $0x0, s0;
	v1 =	vmov s4;
	vm0 =	veq.s32 v0, $0x0;
	[sflag:s3] =	ssyncset.done $0x0  }
0x28: {  	vm15 =	veq.s32 v0, $0x2;
	v1 =	vsel vm0, s2, v1;
	[sflag:s3] =	ssyncadd.s32 s31  }
0x29: {  	v1 =	vsel vm15, s26, v1;
	[sflag:s3] =	ssyncpa.u1 $0x1  }
0x2a: {  	[tilespmem:$0xA108] =	vst v1  }
.LBB2_25:
0x2b: {  	s0 =	sadd.s32 $0x140, s24  }
0x2c: {  	s2 =	smov.u32 s12;
	p2 =	slt.s32 s0, s14  }
0x2d: {  	s2 =	smov.u32 @p2 s0;
	p2 =	sne.s32 s25, s22  }
.Ltmp2:
0x2e: {  	_ = 	snop;
	(pc) =	sbr.rel @!p2 .LBB2_26-.Ltmp2, $4  }
0x2f: {  	_ = 	snop  }
0x30: {  	s26 =	smov.u32 s23;
	s31 =	sadd.s32 $0x1, s25;
	p0 =	por !p0, !p0  }
0x31: {  	s23 =	smov.u32 s24;
	s20 =	sadd.s32 $0x140, s20;
	s21 =	sadd.s32 $0x1, s21  }
0x32: {  	p1 =	por !p1, !p1;
	s25 =	smov.u32 s31;
	s24 =	smov.u32 s2  }
.LBB2_3:
0x33: {  	p2 =	sge.u32 s25, s15  }
0x34: {  	s0 =	smulhi.u32 @!p2 $0xAAAAAAAB, s25  }
0x35: {  	s2 =	smov.u32 s24;
	p3 =	sgt.s32 @!p2 s24, $0x26FC0  }
0x36: {  	s3 =	sshra.s32 @!p2 s24, $0x1F;
	p3 =	por !p3, p2;
	s0 =	sshrl.u32 @!p2 s0, $0x1  }
0x37: {  	s3 =	sand.u32 @!p2 s3, s24;
	s2 =	simm.s32 @p3 $0x26FC0;
	s0 =	smul.u32 @!p2 $0x3, s0  }
0x38: {  	s2 =	ssub.s32 @!p2 s2, s3  }
0x39: {  	s2 =	sadd.s32 @!p2 $0xFFFD9040, s2;
	s0 =	ssub.s32 @!p2 s25, s0  }
0x3a: {  	s3 =	sshll.u32 @!p2 s2, $0x2;
	p3 =	sgt.s32 @!p2 s2, $0x13F;
	s0 =	smul.u32 @!p2 $0x500, s0  }
0x3b: {  	s4 =	sand.u32 @!p2 $0x7, s24;
	s2 =	ssub.s32 @!p2 $0x500, s3;
	p3 =	por !p3, p2  }
0x3c: {  	s3 =	sshrl.u32 @!p2 s24, $0x3;
	s2 =	sshrl.u32 @!p2 s2, $0x2;
	s0 =	sshrl.u32 @!p2 s0, $0x2  }
0x3d: {  	s3 =	sadd.s32 @!p2 s3, s17;
	s2 =	simm.s32 @!p3 $0x0;
	s0 =	sadd.s32 @!p2 $0xA948, s0  }
0x3e: {  	[tilespmem:s0], [sflag:$0xA] =	stream.linear.gather @!p2 [hbm4b:s3+s4], s2, $0x38;
	[tilespmem:$0x1EF88] =	vst v63  }
0x3f: {  	s0 =	sadd.s32 $0xFFFFFFFF, s25  }
0x40: {  	p2 =	sge.u32 s0, s15  }
.Ltmp3:
0x41: {  	_ = 	snop;
	(pc) =	sbr.rel @p2 .LBB2_7-.Ltmp3, $1  }
0x42: {  	_ =	sdelay $0x3  }
0x43: {  	p2 =	sgt.s32 s23, $0x26FC0;
	s2 =	smov.u32 s23;
	s3 =	sshra.s32 s23, $0x1F  }
0x44: {  	s2 =	simm.s32 @!p2 $0x26FC0;
	s3 =	sand.u32 s3, s23  }
0x45: {  	s17 =	smulhi.u32 $0xAAAAAAAB, s21;
	s2 =	ssub.s32 s2, s3  }
0x46: {  	s0 =	sand.u32 $0x1, s0;
	s2 =	sadd.s32 $0xFFFD9040, s2  }
0x47: {  	s5 =	simm.s32 $0xA;
	s3 =	sshrl.u32 s17, $0x1;
	s4 =	sshll.u32 s2, $0x2  }
0x48: {  	s7 =	sshrl.u32 s23, $0x3;
	s3 =	smul.u32 $0xFFFFF100, s3;
	s4 =	ssub.s32 $0x500, s4  }
0x49: {  	s18 =	smul.u32 $0x500, s0;
	p2 =	sgt.s32 s2, $0x13F;
	s2 =	sshrl.u32 s4, $0x2  }
0x4a: {  	s9 =	sand.u32 $0x7, s23;
	s3 =	sshra.s32 s3, $0x2;
	s2 =	simm.s32 @p2 $0x0  }
0x4b: {  	s0 =	sadd.s32 s3, s20;
	s4 =	sshrl.u32 s18, $0x2;
	_ =	swait.ge [sflag:s5], s2  }
0x4c: {  	s22 =	ssub.s32 $0x0, s2;
	[sflag:s5] =	ssyncset.done $0x0;
	s8 =	rddreg [dreg:$0xa]  }
0x4d: {  	s4 =	sadd.s32 $0xAD08, s4;
	[sflag:s5] =	ssyncadd.s32 s22;
	s3 =	sadd.s32 s7, s8  }
0x4e: {  	[tilespmem:s4], [sflag:$0xB] =	stream.linear.gather [hbm4b:s3+s9], s2, $0x38;
	[tilespmem:$0x1EF88] =	vst v63  }
0x4f: {  	v1 =	vld.msk [tilespmem:s0+$0x0], $0xffff;
	_ =	sdelay $0x4  }
0x50: {  	v1 =	vshll.u32 v1, $0x4  }
0x51: {  	(v2sf) =	vpush v1, $0x0  }
0x52: {  	(v2sf) =	vpush v1, $0x1  }
0x53: {  	(v2sf) =	vpush v1, $0x2;
	_ =	sdelay $0x3  }
0x54: {  	(v2sf) =	vpush v1, $0x3;
	_ =	sdelay $0x1  }
0x55: {  	(v2sf) =	vpush v1, $0x4  }
0x56: {  	s2 =	simm.s32 $0x1;
	(v2sf) =	vpush v1, $0x5  }
0x57: {  	s2 =	simm.s32 @!p0 $0x0  }
0x58: {  	s2 =	smul.u32 $0x28000, s2;
	(v2sf) =	vpush v1, $0x6;
	_ =	sdelay $0x1  }
0x59: {  	s2 =	sshrl.u32 s2, $0x2  }
0x5a: {  	s28 =	sadd.s32 $0xB708, s2  }
0x5b: {  	s12 =	sadd.s32 $0xFFFFF880, s28;
	s17 =	sadd.s32 $0xFFFFF900, s28;
	s10 =	spop (v2sf);
	(v2sf) =	vpush v1, $0x7  }
0x5c: {  	s18 =	sadd.s32 $0xFFFFF980, s28;
	s11 =	sand.u32 $0x1FFFFFF0, s10;
	s14 =	spop (v2sf)  }
0x5d: {  	(v2sf) =	vpush v1, $0x8;
	s2 =	sadd.s32 s6, s11;
	s15 =	sand.u32 $0x1FFFFFF0, s14;
	s16 =	spop (v2sf)  }
0x5e: {  	[tilespmem:s12], [sflag:$0x9] =	stream.linear.gather [hbm4b:s2+s19], $0x40, $0x38;
	[tilespmem:$0x1EF88] =	vst v63  }
0x5f: {  	s5 =	sadd.s32 $0xFFFFFA00, s28;
	s2 =	sadd.s32 s6, s15;
	s3 =	sand.u32 $0x1FFFFFF0, s16  }
0x60: {  	(v2sf) =	vpush v1, $0x9;
	[tilespmem:s17], [sflag:$0x9] =	stream.linear.gather [hbm4b:s2+s19], $0x40, $0x38;
	[tilespmem:$0x1EF88] =	vst v63  }
0x61: {  	s7 =	sadd.s32 $0xFFFFFA80, s28;
	s22 =	spop (v2sf);
	s3 =	sadd.s32 s6, s3  }
0x62: {  	(v2sf) =	vpush v1, $0xA;
	[tilespmem:s18], [sflag:$0x9] =	stream.linear.gather [hbm4b:s3+s19], $0x40, $0x38;
	[tilespmem:$0x1EF88] =	vst v63  }
0x63: {  	s11 =	sadd.s32 $0xFFFFFB00, s28;
	s4 =	spop (v2sf);
	(v2sf) =	vpush v1, $0xB;
	s3 =	sand.u32 $0x1FFFFFF0, s22  }
0x64: {  	s8 =	spop (v2sf);
	s2 =	sadd.s32 s6, s3;
	s3 =	sand.u32 $0x1FFFFFF0, s4  }
0x65: {  	(v2sf) =	vpush v1, $0xC;
	[tilespmem:s5], [sflag:$0x9] =	stream.linear.gather [hbm4b:s2+s19], $0x40, $0x38;
	[tilespmem:$0x1EF88] =	vst v63  }
0x66: {  	s9 =	sand.u32 $0x1FFFFFF0, s8;
	s10 =	spop (v2sf);
	s3 =	sadd.s32 s6, s3  }
0x67: {  	(v2sf) =	vpush v1, $0xD;
	[tilespmem:s7], [sflag:$0x9] =	stream.linear.gather [hbm4b:s3+s19], $0x40, $0x38;
	[tilespmem:$0x1EF88] =	vst v63  }
0x68: {  	s12 =	sadd.s32 $0xFFFFFB80, s28;
	s2 =	sadd.s32 s6, s9;
	s3 =	sand.u32 $0x1FFFFFF0, s10  }
0x69: {  	[tilespmem:s11], [sflag:$0x9] =	stream.linear.gather [hbm4b:s2+s19], $0x40, $0x38;
	[tilespmem:$0x1EF88] =	vst v63  }
0x6a: {  	s17 =	sadd.s32 $0xFFFFFC00, s28;
	s3 =	sadd.s32 s6, s3;
	s14 =	spop (v2sf)  }
0x6b: {  	[tilespmem:s12], [sflag:$0x9] =	stream.linear.gather [hbm4b:s3+s19], $0x40, $0x38;
	(v2sf) =	vpush v1, $0xE;
	[tilespmem:$0x1EF88] =	vst v63  }
0x6c: {  	s18 =	sadd.s32 $0xFFFFFC80, s28;
	s15 =	sand.u32 $0x1FFFFFF0, s14;
	s16 =	spop (v2sf)  }
0x6d: {  	s5 =	sadd.s32 $0xFFFFFD00, s28;
	(v2sf) =	vpush v1, $0xF;
	s2 =	sadd.s32 s6, s15;
	s3 =	sand.u32 $0x1FFFFFF0, s16  }
0x6e: {  	[tilespmem:s17], [sflag:$0x9] =	stream.linear.gather [hbm4b:s2+s19], $0x40, $0x38;
	[tilespmem:$0x1EF88] =	vst v63  }
0x6f: {  	s7 =	sadd.s32 $0xFFFFFD80, s28;
	s22 =	spop (v2sf);
	s3 =	sadd.s32 s6, s3  }
0x70: {  	[tilespmem:s18], [sflag:$0x9] =	stream.linear.gather [hbm4b:s3+s19], $0x40, $0x38;
	[tilespmem:$0x1EF88] =	vst v63  }
0x71: {  	s11 =	sadd.s32 $0xFFFFFE00, s28;
	s4 =	spop (v2sf);
	s3 =	sand.u32 $0x1FFFFFF0, s22  }
0x72: {  	s8 =	spop (v2sf);
	s2 =	sadd.s32 s6, s3;
	s3 =	sand.u32 $0x1FFFFFF0, s4  }
0x73: {  	[tilespmem:s5], [sflag:$0x9] =	stream.linear.gather [hbm4b:s2+s19], $0x40, $0x38;
	[tilespmem:$0x1EF88] =	vst v63  }
0x74: {  	s9 =	sand.u32 $0x1FFFFFF0, s8;
	s10 =	spop (v2sf);
	s3 =	sadd.s32 s6, s3  }
0x75: {  	[tilespmem:s7], [sflag:$0x9] =	stream.linear.gather [hbm4b:s3+s19], $0x40, $0x38;
	[tilespmem:$0x1EF88] =	vst v63  }
0x76: {  	s14 =	spop (v2sf);
	s2 =	sadd.s32 s6, s9;
	s3 =	sand.u32 $0x1FFFFFF0, s10  }
0x77: {  	[tilespmem:s11], [sflag:$0x9] =	stream.linear.gather [hbm4b:s2+s19], $0x40, $0x38;
	[tilespmem:$0x1EF88] =	vst v63  }
0x78: {  	s12 =	sadd.s32 $0xFFFFFE80, s28;
	s15 =	sand.u32 $0x1FFFFFF0, s14;
	s3 =	sadd.s32 s6, s3  }
0x79: {  	[tilespmem:s12], [sflag:$0x9] =	stream.linear.gather [hbm4b:s3+s19], $0x40, $0x38;
	[tilespmem:$0x1EF88] =	vst v63  }
0x7a: {  	s17 =	sadd.s32 $0xFFFFFF00, s28;
	s2 =	sadd.s32 s6, s15;
	s16 =	spop (v2sf)  }
0x7b: {  	[tilespmem:s17], [sflag:$0x9] =	stream.linear.gather [hbm4b:s2+s19], $0x40, $0x38;
	[tilespmem:$0x1EF88] =	vst v63  }
0x7c: {  	s29 =	simm.s32 $0x0;
	s3 =	sand.u32 $0x1FFFFFF0, s16;
	s18 =	spop (v2sf)  }
0x7d: {  	s22 =	sadd.s32 $0xFFFFFF80, s28;
	s3 =	sadd.s32 s6, s3;
	s2 =	sand.u32 $0x1FFFFFF0, s18  }
0x7e: {  	[tilespmem:s22], [sflag:$0x9] =	stream.linear.gather [hbm4b:s3+s19], $0x40, $0x38;
	[tilespmem:$0x1EF88] =	vst v63  }
0x7f: {  	s31 =	sadd.s32 $0x10, s0;
	s30 =	sadd.s32 $0x800, s28;
	s2 =	sadd.s32 s6, s2  }
.LBB2_5:
0x80: {  	[tilespmem:s28], [sflag:$0x9] =	stream.linear.gather [hbm4b:s2+s19], $0x40, $0x38;
	[tilespmem:$0x1EF88] =	vst v63  }
0x81: {  	s29 =	sadd.s32 $0x10, s29;
	s28 =	smov.u32 s30  }
0x82: {  	p2 =	slt.u32 s29, $0x130;
	v1 =	vld.msk [tilespmem:s31+$0x0], $0xffff;
	_ =	sdelay $0x4  }
0x83: {  	v1 =	vshll.u32 v1, $0x4  }
0x84: {  	(v2sf) =	vpush v1, $0x0  }
0x85: {  	(v2sf) =	vpush v1, $0x1  }
0x86: {  	(v2sf) =	vpush v1, $0x2;
	_ =	sdelay $0x1  }
0x87: {  	(v2sf) =	vpush v1, $0x3;
	_ =	sdelay $0x1  }
0x88: {  	(v2sf) =	vpush v1, $0x4;
	_ =	sdelay $0x1  }
0x89: {  	(v2sf) =	vpush v1, $0x5;
	_ =	sdelay $0x1  }
0x8a: {  	(v2sf) =	vpush v1, $0x6  }
0x8b: {  	s4 =	sadd.s32 $0xFFFFFE80, s30;
	s0 =	sadd.s32 $0xFFFFFF00, s30  }
0x8c: {  	s3 =	sadd.s32 $0xFFFFFD00, s30;
	s2 =	sadd.s32 $0xFFFFFD80, s30;
	s5 =	sadd.s32 $0xFFFFFE00, s30;
	(v2sf) =	vpush v1, $0x7  }
0x8d: {  	s10 =	sadd.s32 $0xFFFFFB80, s30;
	s9 =	sadd.s32 $0xFFFFFC00, s30;
	s16 =	sadd.s32 $0xFFFFFC80, s30  }
0x8e: {  	s11 =	sadd.s32 $0xFFFFFA00, s30;
	s12 =	sadd.s32 $0xFFFFFA80, s30;
	s15 =	sadd.s32 $0xFFFFFB00, s30;
	(v2sf) =	vpush v1, $0x8  }
0x8f: {  	s18 =	sadd.s32 $0xFFFFF900, s30;
	s7 =	sadd.s32 $0xFFFFF980, s30;
	s22 =	spop (v2sf)  }
0x90: {  	s8 =	sadd.s32 $0xFFFFF880, s30;
	s22 =	sand.u32 $0x1FFFFFF0, s22;
	s14 =	spop (v2sf);
	(v2sf) =	vpush v1, $0x9  }
0x91: {  	s22 =	sadd.s32 s6, s22;
	s14 =	sand.u32 $0x1FFFFFF0, s14;
	s17 =	spop (v2sf)  }
0x92: {  	[tilespmem:s8], [sflag:$0x9] =	stream.linear.gather [hbm4b:s22+s19], $0x40, $0x38;
	(v2sf) =	vpush v1, $0xA;
	[tilespmem:$0x1EF88] =	vst v63  }
0x93: {  	s8 =	sadd.s32 s6, s14;
	s14 =	sand.u32 $0x1FFFFFF0, s17;
	s17 =	spop (v2sf)  }
0x94: {  	[tilespmem:s18], [sflag:$0x9] =	stream.linear.gather [hbm4b:s8+s19], $0x40, $0x38;
	(v2sf) =	vpush v1, $0xB;
	[tilespmem:$0x1EF88] =	vst v63  }
0x95: {  	s8 =	sadd.s32 s6, s14;
	s14 =	sand.u32 $0x1FFFFFF0, s17;
	s17 =	spop (v2sf)  }
0x96: {  	[tilespmem:s7], [sflag:$0x9] =	stream.linear.gather [hbm4b:s8+s19], $0x40, $0x38;
	(v2sf) =	vpush v1, $0xC;
	[tilespmem:$0x1EF88] =	vst v63  }
0x97: {  	s7 =	sadd.s32 s6, s14;
	s8 =	sand.u32 $0x1FFFFFF0, s17;
	s14 =	spop (v2sf)  }
0x98: {  	[tilespmem:s11], [sflag:$0x9] =	stream.linear.gather [hbm4b:s7+s19], $0x40, $0x38;
	(v2sf) =	vpush v1, $0xD;
	[tilespmem:$0x1EF88] =	vst v63  }
0x99: {  	s7 =	sadd.s32 s6, s8;
	s8 =	sand.u32 $0x1FFFFFF0, s14;
	s11 =	spop (v2sf)  }
0x9a: {  	[tilespmem:s12], [sflag:$0x9] =	stream.linear.gather [hbm4b:s7+s19], $0x40, $0x38;
	(v2sf) =	vpush v1, $0xE;
	[tilespmem:$0x1EF88] =	vst v63  }
0x9b: {  	s7 =	sadd.s32 s6, s8;
	s8 =	sand.u32 $0x1FFFFFF0, s11;
	s11 =	spop (v2sf)  }
0x9c: {  	[tilespmem:s15], [sflag:$0x9] =	stream.linear.gather [hbm4b:s7+s19], $0x40, $0x38;
	(v2sf) =	vpush v1, $0xF;
	[tilespmem:$0x1EF88] =	vst v63  }
0x9d: {  	s7 =	sadd.s32 s6, s8;
	s8 =	sand.u32 $0x1FFFFFF0, s11;
	s11 =	spop (v2sf)  }
0x9e: {  	[tilespmem:s10], [sflag:$0x9] =	stream.linear.gather [hbm4b:s7+s19], $0x40, $0x38;
	[tilespmem:$0x1EF88] =	vst v63  }
0x9f: {  	s7 =	sadd.s32 s6, s8;
	s8 =	sand.u32 $0x1FFFFFF0, s11;
	s10 =	spop (v2sf)  }
0xa0: {  	[tilespmem:s9], [sflag:$0x9] =	stream.linear.gather [hbm4b:s7+s19], $0x40, $0x38;
	[tilespmem:$0x1EF88] =	vst v63  }
0xa1: {  	s7 =	sadd.s32 s6, s8;
	s8 =	sand.u32 $0x1FFFFFF0, s10;
	s9 =	spop (v2sf)  }
0xa2: {  	[tilespmem:s16], [sflag:$0x9] =	stream.linear.gather [hbm4b:s7+s19], $0x40, $0x38;
	[tilespmem:$0x1EF88] =	vst v63  }
0xa3: {  	s7 =	sadd.s32 s6, s8;
	s8 =	sand.u32 $0x1FFFFFF0, s9;
	s9 =	spop (v2sf)  }
0xa4: {  	[tilespmem:s3], [sflag:$0x9] =	stream.linear.gather [hbm4b:s7+s19], $0x40, $0x38;
	[tilespmem:$0x1EF88] =	vst v63  }
0xa5: {  	s3 =	sadd.s32 s6, s8;
	s7 =	sand.u32 $0x1FFFFFF0, s9;
	s8 =	spop (v2sf)  }
0xa6: {  	[tilespmem:s2], [sflag:$0x9] =	stream.linear.gather [hbm4b:s3+s19], $0x40, $0x38;
	[tilespmem:$0x1EF88] =	vst v63  }
0xa7: {  	s2 =	sadd.s32 s6, s7;
	s3 =	sand.u32 $0x1FFFFFF0, s8;
	s7 =	spop (v2sf)  }
0xa8: {  	[tilespmem:s5], [sflag:$0x9] =	stream.linear.gather [hbm4b:s2+s19], $0x40, $0x38;
	[tilespmem:$0x1EF88] =	vst v63  }
0xa9: {  	s2 =	sadd.s32 s6, s3;
	s3 =	sand.u32 $0x1FFFFFF0, s7;
	s5 =	spop (v2sf)  }
0xaa: {  	[tilespmem:s4], [sflag:$0x9] =	stream.linear.gather [hbm4b:s2+s19], $0x40, $0x38;
	[tilespmem:$0x1EF88] =	vst v63  }
0xab: {  	s2 =	sadd.s32 s6, s3  }
.Ltmp4:
0xac: {  	s3 =	sand.u32 $0x1FFFFFF0, s5;
	s4 =	spop (v2sf);
	(pc) =	sbr.rel @p2 .LBB2_5-.Ltmp4, $4  }
0xad: {  	[tilespmem:s0], [sflag:$0x9] =	stream.linear.gather [hbm4b:s2+s19], $0x40, $0x38;
	[tilespmem:$0x1EF88] =	vst v63  }
0xae: {  	s0 =	sadd.s32 s6, s3;
	s2 =	sadd.s32 $0xFFFFFF80, s30;
	s3 =	sand.u32 $0x1FFFFFF0, s4  }
0xaf: {  	[tilespmem:s2], [sflag:$0x9] =	stream.linear.gather [hbm4b:s0+s19], $0x40, $0x38;
	[tilespmem:$0x1EF88] =	vst v63  }
0xb0: {  	s31 =	sadd.s32 $0x10, s31;
	s30 =	sadd.s32 $0x800, s30;
	s2 =	sadd.s32 s6, s3  }
0xb1: {  	[tilespmem:s28], [sflag:$0x9] =	stream.linear.gather [hbm4b:s2+s19], $0x40, $0x38;
	[tilespmem:$0x1EF88] =	vst v63  }
0xb2: {  	s12 =	rddreg [dreg:$0x6]  }
0xb3: {  	s14 =	rddreg [dreg:$0x7]  }
0xb4: {  	s15 =	rddreg [dreg:$0x8]  }
0xb5: {  	s17 =	rddreg [dreg:$0x9]  }
0xb6: {  	s18 =	rddreg [dreg:$0xb]  }
0xb7: {  	s22 =	rddreg [dreg:$0xc]  }
.LBB2_7:
0xb8: {  	p2 =	slt.u32 s25, $0x2  }
.Ltmp5:
0xb9: {  	_ = 	snop;
	(pc) =	sbr.rel @p2 .LBB2_25-.Ltmp5, $1  }
0xba: {  	_ =	sdelay $0x3  }
0xbb: {  	p2 =	sgt.s32 s26, $0x26FC0;
	s0 =	smov.u32 s26;
	s2 =	sshra.s32 s26, $0x1F  }
0xbc: {  	s0 =	simm.s32 @!p2 $0x26FC0;
	s2 =	sand.u32 s2, s26  }
0xbd: {  	s0 =	ssub.s32 s0, s2  }
0xbe: {  	s0 =	sadd.s32 $0xFFFD9040, s0  }
0xbf: {  	s3 =	simm.s32 $0x9;
	s29 =	sshll.u32 s0, $0x2  }
0xc0: {  	_ =	swait.ge [sflag:s3], $0x5000;
	s2 =	ssub.s32 $0x500, s29  }
0xc1: {  	[sflag:s3] =	ssyncset.done $0x0;
	p2 =	sgt.s32 s0, $0x13F;
	s0 =	sshrl.u32 s2, $0x2  }
0xc2: {  	s30 =	simm.s32 $0xB;
	[sflag:s3] =	ssyncadd.s32 $0xFFFFB000;
	s0 =	simm.s32 @p2 $0x0  }
0xc3: {  	_ =	swait.ge [sflag:s30], s0  }
0xc4: {  	s0 =	ssub.s32 $0x0, s0;
	[sflag:s30] =	ssyncset.done $0x0  }
0xc5: {  	[sflag:s30] =	ssyncadd.s32 s0  }
0xc6: {  	v1 =	vld [tilespmem:$0xA108];
	_ =	sdelay $0x4  }
0xc7: {  	(v2sf) =	vpush v1, $0x0  }
0xc8: {  	(v2sf) =	vpush v1, $0x1  }
0xc9: {  	(v2sf) =	vpush v1, $0x2;
	_ =	sdelay $0x3  }
0xca: {  	s0 =	sadd.s32 $0x140, s26  }
0xcb: {  	s4 =	ssub.s32 $0x4E200, s26;
	p2 =	slt.s32 s14, s0  }
0xcc: {  	s0 =	smov.u32 @p2 s14;
	p2 =	sgt.s32 s4, $0x0  }
0xcd: {  	s0 =	ssub.s32 s0, s26;
	s4 =	simm.s32 @!p2 $0x0  }
0xce: {  	p2 =	slt.s32 s4, s0  }
0xcf: {  	s0 =	smov.u32 @p2 s4  }
0xd0: {  	s2 =	simm.s32 $0x1;
	p2 =	slt.s32 s0, $0x1  }
.Ltmp6:
0xd1: {  	s2 =	simm.s32 @!p1 $0x0;
	(pc) =	sbr.rel @p2 .LBB2_12-.Ltmp6, $4  }
0xd2: {  	s7 =	smul.u32 $0x500, s2  }
0xd3: {  	s3 =	spop (v2sf)  }
0xd4: {  	s31 =	sshrl.u32 s7, $0x2;
	s5 =	spop (v2sf)  }
0xd5: {  	s28 =	sadd.s32 $0xAD08, s31;
	s26 =	spop (v2sf)  }
0xd6: {  	s4 =	smin.u32 s0, $0x10  }
0xd7: {  	v1 =	vmov s4  }
0xd8: {  	p3 =	sgt.s32 s0, $0x10;
	vm1 =	vgt.u32 v1, v0  }
.Ltmp7:
0xd9: {  	_ = 	snop;
	(pc) =	sbr.rel @!p3 .LBB2_11-.Ltmp7, $2  }
0xda: {  	_ =	sdelay $0x2  }
0xdb: {  	s9 =	simm.s32 $0x10;
	s10 =	sadd.s32 $0xFFFFFFF0, s0;
	s4 =	smov.u32 s28;
	vm0 =	vmmov vm1  }
.LBB2_10:
0xdc: {  	s7 =	smin.u32 s10, $0x10;
	s9 =	sadd.s32 $0x10, s9;
	v1 =	vld.msk [tilespmem:s4+$0x0 ss:$0x1], vm1  }
0xdd: {  	v2 =	vmov s7;
	p3 =	slt.s32 s9, s0  }
0xde: {  	vm1 =	vgt.u32 v2, v0  }
.Ltmp8:
0xdf: {  	(pc) =	sbr.rel @p3 .LBB2_10-.Ltmp8, $3  }
0xe0: {  	_ =	sdelay $0x1  }
0xe1: {  	v1 =	vshll.u32 v1, $0x4  }
0xe2: {  	s10 =	sadd.s32 $0xFFFFFFF0, s10;
	[tilespmem:s4+$0x0] =	vst.msk vm0, v1;
	s4 =	sadd.s32 $0x10, s4;
	vm0 =	vmmov vm1  }
.LBB2_11:
0xe3: {  	_ =	sdelay $0x4  }
0xe4: {  	v1 =	vld.msk [tilespmem:s4+$0x0 ss:$0x1], vm1;
	_ =	sdelay $0x4  }
0xe5: {  	v1 =	vshll.u32 v1, $0x4  }
0xe6: {  	[tilespmem:s4+$0x0] =	vst.msk vm0, v1  }
.LBB2_12:
0xe7: {  	s4 =	sand.u32 $0x1, s25  }
0xe8: {  	s4 =	smul.u32 $0x140, s4  }
0xe9: {  	p3 =	sne.s32 s5, $0xFFFFFFFF  }
0xea: {  	v1 =	vld.msk @!p3 [tilespmem:s4+$0xAD08], $0x1;
	_ =	sdelay $0x4  }
0xeb: {  	(v2sf) =	vpush @!p3 v1, $0x0;
	_ =	sdelay $0xc  }
.Ltmp9:
0xec: {  	_ = 	snop;
	(pc) =	sbr.rel @p2 .LBB2_23-.Ltmp9, $4  }
0xed: {  	_ = 	snop  }
0xee: {  	s29 =	spop @!p3 (v2sf)  }
0xef: {  	s31 =	simm.s32 $0xC;
	s26 =	simm.s32 @!p3 $0x0;
	s4 =	smov.u32 s29  }
0xf0: {  	[sflag:s31] =	ssyncpa.u1 $0x0;
	s29 =	smov.u32 @p3 s3;
	s4 =	smov.u32 @p3 s5  }
0xf1: {  	v1 =	vld.msk [tilespmem:s28+$0x0], $0x1;
	_ =	sdelay $0x4  }
0xf2: {  	(v2sf) =	vpush v1, $0x0;
	_ =	sdelay $0xe  }
0xf3: {  	s2 =	smul.u32 $0x28000, s2;
	s5 =	spop (v2sf)  }
0xf4: {  	s31 =	ssub.s32 $0x0, s0;
	p2 =	seq.s32 s29, s5  }
0xf5: {  	s3 =	smov.u32 s29;
	s2 =	sshrl.u32 s2, $0x2;
	p3 =	sgt.s32 @!p2 s29, $0x0  }
0xf6: {  	s30 =	sadd.s32 $0xAFA8, s2;
	s2 =	sadd.s32 $0x1, s31;
	p3 =	por !p3, p2  }
0xf7: {  	s3 =	simm.s32 @p3 $0x0;
	p3 =	seq.s32 s2, $0x0  }
.Ltmp10:
0xf8: {  	_ = 	snop;
	(pc) =	sbr.rel @p3 .LBB2_15-.Ltmp10, $4  }
0xf9: {  	_ = 	snop  }
0xfa: {  	s0 =	simm.s32 $0x0;
	s9 =	simm.s32 @!p2 $0x1;
	s3 =	smin.u32 @!p2 s3, $0x270F8  }
0xfb: {  	s10 =	simm.s32 @!p2 $0x50C8;
	s9 =	smov.u32 @p2 s0;
	s7 =	sand.u32 @!p2 $0x3FFF8, s3  }
0xfc: {  	s16 =	sand.u32 @!p2 $0x7, s3;
	s3 =	sadd.s32 $0x1, s28;
	s11 =	sadd.s32 @!p2 s1, s7  }
.LBB2_14:
0xfd: {  	s7 =	smov.u32 s9  }
0xfe: {  	[tilespmem:s10], [sflag:$0x2] =	stream.linear.gather @!p2 [hbm4b:s11+s16], $0x40, $0x38;
	[tilespmem:$0x1EF88] =	vst v63  }
0xff: {  	s2 =	sadd.s32 $0x1, s2;
	s8 =	smov.u32 s5;
	v1 =	vld.msk [tilespmem:s3+$0x0], $0x1  }
0x100: {  	p3 =	seq.s32 s2, $0x0;
	_ =	sdelay $0x3  }
0x101: {  	(v2sf) =	vpush v1, $0x0;
	_ =	sdelay $0xe  }
0x102: {  	s5 =	spop (v2sf)  }
0x103: {  	p2 =	seq.s32 s8, s5  }
0x104: {  	p4 =	sgt.s32 @!p2 s8, $0x0;
	s10 =	sshll.u32 @!p2 s9, $0x8;
	s9 =	sadd.s32 @!p2 $0x1, s9  }
.Ltmp11:
0x105: {  	p4 =	por !p4, p2;
	s10 =	sshra.s32 @!p2 s10, $0x2;
	(pc) =	sbr.rel @!p3 .LBB2_14-.Ltmp11, $4  }
0x106: {  	s9 =	smov.u32 @p2 s7;
	s8 =	simm.s32 @p4 $0x0;
	s10 =	sadd.s32 @!p2 $0x50C8, s10  }
0x107: {  	s7 =	smin.u32 @!p2 s8, $0x270F8  }
0x108: {  	s8 =	sand.u32 @!p2 $0x3FFF8, s7;
	s16 =	sand.u32 @!p2 $0x7, s7  }
0x109: {  	s3 =	sadd.s32 $0x1, s3;
	s11 =	sadd.s32 @!p2 s1, s8  }
.LBB2_15:
0x10a: {  	[tilespmem:s10], [sflag:$0x2] =	stream.linear.gather @!p2 [hbm4b:s11+s16], $0x40, $0x38;
	[tilespmem:$0x1EF88] =	vst v63  }
.Ltmp12:
0x10b: {  	s2 =	sshll.u32 s9, $0x6;
	(pc) =	sbr.rel .LBB2_16-.Ltmp12, $4  }
0x10c: {  	s3 =	simm.s32 $0x2;
	s2 =	sand.u32 $0x3FFFFFC0, s2  }
0x10d: {  	_ =	swait.ge [sflag:s3], s2  }
0x10e: {  	s2 =	ssub.s32 $0x0, s2;
	[sflag:s3] =	ssyncset.done $0x0  }
0x10f: {  	[sflag:s3] =	ssyncadd.s32 s2;
	s3 =	simm.s32 $0x0  }
.LBB2_17:
0x110: {  	v1 =	vld [tilespmem:s30+$0xFFFFFFE0];
	_ =	sdelay $0x4  }
0x111: {  	[tilespmem:s5+$0x88] =	vst.add.f32.msk $0xffff, v1  }
0x112: {  	v1 =	vld [tilespmem:s30+$0xFFFFFFF0];
	_ =	sdelay $0x4  }
0x113: {  	[tilespmem:s5+$0x98] =	vst.add.f32.msk $0xffff, v1  }
0x114: {  	v1 =	vld [tilespmem:s30+$0x0];
	_ =	sdelay $0x4  }
0x115: {  	[tilespmem:s5+$0xA8] =	vst.add.f32.msk $0xffff, v1  }
0x116: {  	v1 =	vld [tilespmem:s30+$0x10];
	_ =	sdelay $0x4  }
0x117: {  	[tilespmem:s5+$0xB8] =	vst.add.f32.msk $0xffff, v1  }
.LBB2_21:
0x118: {  	s31 =	sadd.s32 $0x1, s31  }
0x119: {  	p2 =	seq.s32 s31, $0x0  }
.Ltmp13:
0x11a: {  	_ = 	snop;
	(pc) =	sbr.rel @p2 .LBB2_22-.Ltmp13, $2  }
0x11b: {  	_ =	sdelay $0x2  }
0x11c: {  	s30 =	sadd.s32 $0x80, s30;
	s28 =	sadd.s32 $0x1, s28;
	s29 =	smov.u32 s2  }
.LBB2_16:
0x11d: {  	v1 =	vld.msk [tilespmem:s28+$0x0], $0x1;
	_ =	sdelay $0x4  }
0x11e: {  	(v2sf) =	vpush v1, $0x0;
	_ =	sdelay $0xe  }
0x11f: {  	s2 =	spop (v2sf)  }
0x120: {  	p2 =	sne.s32 s29, s2  }
.Ltmp14:
0x121: {  	_ = 	snop;
	(pc) =	sbr.rel @!p2 .LBB2_17-.Ltmp14, $3  }
0x122: {  	_ =	sdelay $0x1  }
0x123: {  	s5 =	sshll.u32 s26, $0x8  }
0x124: {  	s5 =	sshra.s32 s5, $0x2  }
0x125: {  	p2 =	seq.s32 s29, s4  }
.Ltmp15:
0x126: {  	_ = 	snop;
	(pc) =	sbr.rel @!p2 .LBB2_19-.Ltmp15, $1  }
0x127: {  	_ =	sdelay $0x3  }
.Ltmp16:
0x128: {  	s5 =	sadd.s32 $0x88, s5;
	(pc) =	sbr.rel .LBB2_20-.Ltmp16, $4  }
0x129: {  	[spmem:s18] =	stream.linear.scatter [tilespmem:s5], [sflag:$0x1], $0x40, $0x38;
	[tilespmem:$0x1EF88] =	vst v63  }
0x12a: {  	_ =	swait.ge [sflag:s13], $0x40  }
0x12b: {  	[sflag:s13] =	ssyncset.done $0x0  }
0x12c: {  	[sflag:s13] =	ssyncadd.s32 $0xFFFFFFC0  }
.LBB2_19:
0x12d: {  	s7 =	sshll.u32 s0, $0x8  }
0x12e: {  	s7 =	sshra.s32 s7, $0x2  }
0x12f: {  	v1 =	vld [tilespmem:s7+$0x50C8];
	_ =	sdelay $0x4  }
0x130: {  	[tilespmem:s5+$0x88] =	vst.add.f32.msk $0xffff, v1  }
0x131: {  	v1 =	vld [tilespmem:s7+$0x50D8];
	_ =	sdelay $0x4  }
0x132: {  	[tilespmem:s5+$0x98] =	vst.add.f32.msk $0xffff, v1  }
0x133: {  	v1 =	vld [tilespmem:s7+$0x50E8];
	_ =	sdelay $0x4  }
0x134: {  	[tilespmem:s5+$0xA8] =	vst.add.f32.msk $0xffff, v1  }
0x135: {  	v1 =	vld [tilespmem:s7+$0x50F8];
	_ =	sdelay $0x2  }
0x136: {  	p2 =	sgt.u32 s29, $0x270F8  }
0x137: {  	s7 =	sand.u32 @!p2 $0x3FFF8, s29  }
0x138: {  	s8 =	sadd.s32 $0x88, s5;
	[tilespmem:s5+$0xB8] =	vst.add.f32.msk $0xffff, v1;
	s5 =	sadd.s32 @!p2 s1, s7;
	s7 =	sand.u32 @!p2 $0x7, s29  }
0x139: {  	[hbm4b:s5+s7] =	stream.linear.scatter @!p2 [tilespmem:s8], [sflag:$0xC], $0x40, $0x38;
	[tilespmem:$0x1EF88] =	vst v63  }
0x13a: {  	s5 =	simm.s32 $0x0  }
0x13b: {  	s5 =	simm.s32 @!p2 $0x100  }
0x13c: {  	s3 =	sadd.s32 s5, s3  }
.LBB2_20:
0x13d: {  	s5 =	sadd.s32 $0x1, s26  }
0x13e: {  	s7 =	smulhi.u32 $0xCCCCCCCD, s5;
	_ =	sdelay $0x1  }
0x13f: {  	v1 =	vld [tilespmem:s30+$0xFFFFFFE0];
	s7 =	sshrl.u32 s7, $0x8  }
0x140: {  	s7 =	smul.u32 $0x140, s7;
	_ =	sdelay $0x1  }
0x141: {  	s26 =	ssub.s32 s5, s7  }
0x142: {  	s5 =	sshll.u32 s26, $0x6  }
0x143: {  	[tilespmem:s5+$0x88] =	vst v1  }
0x144: {  	v1 =	vld [tilespmem:s30+$0xFFFFFFF0];
	_ =	sdelay $0x4  }
0x145: {  	[tilespmem:s5+$0x98] =	vst v1  }
0x146: {  	v1 =	vld [tilespmem:s30+$0x0];
	_ =	sdelay $0x4  }
0x147: {  	[tilespmem:s5+$0xA8] =	vst v1  }
0x148: {  	v1 =	vld [tilespmem:s30+$0x10]  }
.Ltmp17:
0x149: {  	_ = 	snop;
	(pc) =	sbr.rel .LBB2_21-.Ltmp17, $2  }
0x14a: {  	_ =	sdelay $0x2  }
0x14b: {  	s0 =	sadd.s32 $0x1, s0;
	[tilespmem:s5+$0xB8] =	vst v1  }
.LBB2_23:
.Ltmp18:
0x14c: {  	(pc) =	sbr.rel .LBB2_24-.Ltmp18, $4  }
0x14d: {  	_ = 	snop  }
0x14e: {  	s0 =	simm.s32 $0x2  }
0x14f: {  	_ =	swait.ge [sflag:s0], $0x0  }
0x150: {  	s2 =	smov.u32 s29;
	[sflag:s0] =	ssyncset.done $0x0;
	s0 =	simm.s32 $0x0  }
.LBB2_26:
0x151: {  	_ =	sfence.sel $0x180000  }
0x152: {  	s0 =	simm.s32 $0x9;
	[bflag:$0x0] =	sbarrier.arrive $0xFFFF  }
0x153: {  	s24 =	simm.s32 $0xA;
	[sflag:s0] =	ssyncpa.u1 $0x1  }
0x154: {  	s25 =	simm.s32 $0xB;
	[sflag:s24] =	ssyncpa.u1 $0x1  }
0x155: {  	s26 =	simm.s32 $0x2;
	[sflag:s25] =	ssyncpa.u1 $0x1  }
0x156: {  	[sflag:s26] =	ssyncpa.u1 $0x1  }
0x157: {  	v0 =	vld [tilespmem:$0xA108];
	_ =	sdelay $0x4  }
0x158: {  	(v2sf) =	vpush v0, $0x0  }
0x159: {  	(v2sf) =	vpush v0, $0x1;
	_ =	sdelay $0x1  }
0x15a: {  	(v2sf) =	vpush v0, $0x2;
	_ =	sdelay $0xb  }
0x15b: {  	s0 =	spop (v2sf)  }
0x15c: {  	s2 =	spop (v2sf)  }
0x15d: {  	s3 =	smov.u32 s0;
	p0 =	sne.s32 s0, s2  }
0x15e: {  	s4 =	spop (v2sf);
	s3 =	simm.s32 @!p0 $0xFFFFFFFF  }
0x15f: {  	v2 =	vimm.s32 $0x1;
	v3 =	vlaneseq.u32;
	p0 =	seq.s32 s4, $0xFFFFFFFF;
	v1 =	vmov s3  }
0x160: {  	s14 =	stileid.u32;
	v0 =	vperm.xlane v0, v2;
	p1 =	sne.s32 @!p0 s0, s2;
	v1 =	vperm.xlane v1, v3  }
0x161: {  	vm0 =	vcmask $0x3F04;
	s6 =	simm.s32 $0xA108;
	s0 =	simm.s32 @!p0 $0x1;
	p1 =	por !p1, p0  }
0x162: {  	s3 =	sshll.u32 s14, $0x1;
	s2 =	sshll.u32 @!p0 s4, $0x8;
	s0 =	simm.s32 @p1 $0x0;
	v0 =	vsel vm0, v1, v0  }
0x163: {  	s5 =	sor.u32 $0x800, s3;
	s2 =	sshra.s32 @!p0 s2, $0x2;
	s0 =	sor.u32 @!p0 s0, s3;
	[tilespmem:$0xA108] =	vst v0  }
0x164: {  	[spmem:s5] =	stream.linear.scatter [tilespmem:s6], [sflag:$0x1], $0x2, $0x38;
	[tilespmem:$0x1EF88] =	vst v63  }
0x165: {  	s2 =	sadd.s32 @!p0 $0x88, s2;
	s0 =	sshll.u32 @!p0 s0, $0x6  }
0x166: {  	[spmem:s0] =	stream.linear.scatter @!p0 [tilespmem:s2], [sflag:$0x1], $0x40, $0x38;
	[tilespmem:$0x1EF88] =	vst v63  }
0x167: {  	s0 =	simm.s32 @!p0 $0x42  }
0x168: {  	s28 =	simm.s32 $0x1;
	s0 =	simm.s32 @p0 $0x2  }
0x169: {  	_ =	swait.ge [sflag:s28], s0  }
0x16a: {  	s0 =	ssub.s32 $0x0, s0;
	[sflag:s28] =	ssyncset.done $0x0  }
0x16b: {  	p0 =	sne.s32 s14, $0x0;
	[sflag:s28] =	ssyncadd.s32 s0  }
.Ltmp19:
0x16c: {  	_ =	sfence.stream.spmem;
	(pc) =	sbr.rel @p0 .LBB2_43-.Ltmp19, $4  }
0x16d: {  	s29 =	simm.s32 $0x3;
	[bflag:$0x0] =	sbarrier.arrive $0xFFFF  }
0x16e: {  	s30 =	simm.s32 $0x4;
	[sflag:s29] =	ssyncpa.u1 $0x1  }
0x16f: {  	s31 =	simm.s32 $0x3C;
	[sflag:s30] =	ssyncpa.u1 $0x1  }
0x170: {  	s13 =	rddreg [dreg:$0x5];
	[sflag:s31] =	ssyncpa.u1 $0x1  }
0x171: {  	_ =	sfence.stream.spmem;
	s0 =	simm.s32 $0x5  }
0x172: {  	s2 =	simm.s32 $0x800;
	s3 =	simm.s32 $0xA118;
	[sflag:s0] =	ssyncpa.u1 $0x0  }
0x173: {  	[tilespmem:s3], [sflag:$0x5] =	stream.linear.gather [spmem:s2], $0x20, $0x38;
	[tilespmem:$0x1EF88] =	vst v63  }
0x174: {  	s26 =	simm.s32 $0x0;
	s28 =	simm.s32 $0xA138  }
0x175: {  	[tilespmem:s28], [sflag:$0x5] =	stream.linear.gather [spmem:s26], $0x800, $0x38;
	[tilespmem:$0x1EF88] =	vst v63  }
0x176: {  	_ =	swait.ge [sflag:s0], $0x820  }
0x177: {  	[sflag:s0] =	ssyncset.done $0x0  }
0x178: {  	s29 =	simm.s32 $0x0;
	[sflag:s0] =	ssyncadd.s32 $0xFFFFF7E0  }
0x179: {  	v0 =	vld.msk [tilespmem:s29+$0xA118], $0x1;
	_ =	sdelay $0x1  }
0x17a: {  	s30 =	simm.s32 $0x1  }
0x17b: {  	v1 =	vld.msk [tilespmem:s30+$0xA118], $0x1;
	_ =	sdelay $0x1  }
0x17c: {  	(v2sf) =	vpush v0, $0x0;
	_ =	sdelay $0x2  }
0x17d: {  	(v2sf) =	vpush v1, $0x0;
	_ =	sdelay $0x2  }
0x17e: {  	s31 =	simm.s32 $0x2  }
0x17f: {  	v0 =	vld.msk [tilespmem:s31+$0xA118], $0x1;
	_ =	sdelay $0x2  }
0x180: {  	s2 =	simm.s32 $0xFFFFFFFF;
	s3 =	simm.s32 $0xFFFFFFFF;
	s0 =	simm.s32 $0xC  }
.LBB2_28:
0x181: {  	s4 =	smov.u32 s3;
	s5 =	smov.u32 s2  }
0x182: {  	s2 =	sshra.s32 s0, $0x2;
	p1 =	sne.s32 s0, $0x7C;
	s0 =	sadd.s32 $0x4, s0;
	(v2sf) =	vpush v0, $0x0  }
0x183: {  	v0 =	vld.msk [tilespmem:s2+$0xA118], $0x1  }
.Ltmp20:
0x184: {  	(pc) =	sbr.rel @p1 .LBB2_28-.Ltmp20, $4  }
0x185: {  	s3 =	spop (v2sf)  }
0x186: {  	p2 =	sne.s32 s5, $0xFFFFFFFF;
	s2 =	smov.u32 s3  }
0x187: {  	p3 =	seq.s32 s3, $0xFFFFFFFF;
	s2 =	smov.u32 @p2 s5  }
0x188: {  	s3 =	smov.u32 @p3 s4;
	s2 =	smov.u32 @p3 s5  }
0x189: {  	(v2sf) =	vpush v0, $0x0;
	_ =	sdelay $0x8  }
0x18a: {  	s0 =	spop (v2sf)  }
0x18b: {  	p1 =	sne.s32 s2, $0xFFFFFFFF;
	s4 =	smov.u32 s0  }
0x18c: {  	s6 =	simm.s32 $0x0;
	p2 =	seq.s32 s0, $0xFFFFFFFF;
	s4 =	smov.u32 @p1 s2  }
0x18d: {  	s9 =	simm.s32 $0xA0C8;
	s4 =	smov.u32 @p2 s2;
	s2 =	spop (v2sf)  }
0x18e: {  	s0 =	smov.u32 @p2 s3;
	p1 =	sne.s32 s4, $0xFFFFFFFF;
	s5 =	smov.u32 s2  }
.Ltmp21:
0x18f: {  	p2 =	seq.s32 s2, $0xFFFFFFFF;
	s5 =	smov.u32 @p1 s4;
	(pc) =	sbr.rel .LBB2_30-.Ltmp21, $4  }
0x190: {  	s10 =	simm.s32 $0x0;
	s5 =	smov.u32 @p2 s4;
	s7 =	spop (v2sf)  }
0x191: {  	s2 =	smov.u32 @p2 s0;
	p1 =	sne.s32 s5, $0xFFFFFFFF;
	s8 =	smov.u32 s7  }
0x192: {  	s0 =	simm.s32 $0x6;
	p2 =	seq.s32 s7, $0xFFFFFFFF;
	s8 =	smov.u32 @p1 s5  }
0x193: {  	[sflag:s0] =	ssyncpa.u1 $0x0;
	s7 =	smov.u32 @p2 s2;
	s8 =	smov.u32 @p2 s5  }
.LBB2_36:
0x194: {  	p1 =	sgt.u32 s2, $0x270F8  }
0x195: {  	p2 =	seq.s32 @!p1 s2, s8  }
0x196: {  	p1 =	por p1, p2  }
0x197: {  	p2 =	sne.s32 @!p1 s2, s7  }
0x198: {  	p1 =	por p1, !p2  }
0x199: {  	s2 =	sshll.u32 @p1 s10, $0x8  }
0x19a: {  	s3 =	sand.u32 @!p1 $0x3FFF8, s2  }
0x19b: {  	s2 =	sand.u32 @!p1 $0x7, s2;
	s3 =	sadd.s32 @!p1 s1, s3  }
0x19c: {  	[tilespmem:s9], [sflag:$0x6] =	stream.linear.gather @!p1 [hbm4b:s3+s2], $0x40, $0x38;
	[tilespmem:$0x1EF88] =	vst v63  }
0x19d: {  	_ =	swait.ge @!p1 [sflag:s0], $0x40  }
0x19e: {  	[sflag:s0] =	ssyncset.done @!p1 $0x0  }
0x19f: {  	[sflag:s0] =	ssyncadd.s32 @!p1 $0xFFFFFFC0  }
0x1a0: {  	v1 =	vld @!p1 [tilespmem:$0xA0C8];
	_ =	sdelay $0x2  }
0x1a1: {  	s2 =	sshll.u32 @!p1 s10, $0x8  }
0x1a2: {  	s3 =	sshrl.u32 @!p1 s2, $0x2  }
0x1a3: {  	[tilespmem:s3+$0xA138] =	vst.add.f32.msk @!p1 $0xffff, v1  }
0x1a4: {  	v1 =	vld @!p1 [tilespmem:$0xA0D8];
	_ =	sdelay $0x4  }
0x1a5: {  	[tilespmem:s3+$0xA148] =	vst.add.f32.msk @!p1 $0xffff, v1  }
0x1a6: {  	v1 =	vld @!p1 [tilespmem:$0xA0E8];
	_ =	sdelay $0x4  }
0x1a7: {  	[tilespmem:s3+$0xA158] =	vst.add.f32.msk @!p1 $0xffff, v1  }
0x1a8: {  	v1 =	vld @!p1 [tilespmem:$0xA0F8];
	_ =	sdelay $0x4  }
0x1a9: {  	[tilespmem:s3+$0xA168] =	vst.add.f32.msk @!p1 $0xffff, v1  }
0x1aa: {  	s2 =	sshrl.u32 s2, $0x2;
	[tilespmem:s6+$0xA118] =	vst.msk $0x1, v0  }
0x1ab: {  	v0 =	vld [tilespmem:s2+$0xA138];
	_ =	sdelay $0x2  }
0x1ac: {  	s31 =	sshll.u32 s6, $0x8  }
0x1ad: {  	s3 =	sshra.s32 s31, $0x2  }
0x1ae: {  	[tilespmem:s3+$0xA138] =	vst v0  }
0x1af: {  	v0 =	vld [tilespmem:s2+$0xA148];
	_ =	sdelay $0x4  }
0x1b0: {  	[tilespmem:s3+$0xA148] =	vst v0  }
0x1b1: {  	v0 =	vld [tilespmem:s2+$0xA158];
	_ =	sdelay $0x4  }
0x1b2: {  	[tilespmem:s3+$0xA158] =	vst v0  }
0x1b3: {  	v0 =	vld [tilespmem:s2+$0xA168];
	_ =	sdelay $0x4  }
0x1b4: {  	s6 =	sadd.s32 $0x1, s6;
	[tilespmem:s3+$0xA168] =	vst v0  }
.LBB2_37:
0x1b5: {  	s10 =	sadd.s32 $0x1, s10  }
0x1b6: {  	p1 =	sne.s32 s10, $0x20  }
.Ltmp22:
0x1b7: {  	_ = 	snop;
	(pc) =	sbr.rel @!p1 .LBB2_38-.Ltmp22, $1  }
0x1b8: {  	_ =	sdelay $0x3  }
.LBB2_30:
0x1b9: {  	v0 =	vld.msk [tilespmem:s10+$0xA118], $0x1;
	_ =	sdelay $0x4  }
0x1ba: {  	(v2sf) =	vpush v0, $0x0;
	_ =	sdelay $0xe  }
0x1bb: {  	s2 =	spop (v2sf)  }
0x1bc: {  	p1 =	seq.s32 s2, $0xFFFFFFFF  }
.Ltmp23:
0x1bd: {  	_ = 	snop;
	(pc) =	sbr.rel @p1 .LBB2_37-.Ltmp23, $1  }
0x1be: {  	_ =	sdelay $0x3  }
0x1bf: {  	p1 =	slt.s32 s6, $0x1  }
.Ltmp24:
0x1c0: {  	_ = 	snop;
	(pc) =	sbr.rel @p1 .LBB2_36-.Ltmp24, $1  }
0x1c1: {  	_ =	sdelay $0x3  }
0x1c2: {  	s3 =	simm.s32 $0xA118;
	p1 =	por $0x0, $0x0  }
0x1c3: {  	v1 =	vld.msk @!p1 [tilespmem:s3+$0x0], $0x1;
	_ =	sdelay $0x4  }
0x1c4: {  	(v2sf) =	vpush @!p1 v1, $0x0;
	_ =	sdelay $0xd  }
0x1c5: {  	p3 =	sne.s32 s6, $0x1  }
.Ltmp25:
0x1c6: {  	s4 =	spop @!p1 (v2sf);
	(pc) =	sbr.rel @!p3 .LBB2_34-.Ltmp25, $4  }
0x1c7: {  	p2 =	seq.s32 @!p1 s2, s4  }
0x1c8: {  	s4 =	simm.s32 $0x0;
	p2 =	por !p2, p1  }
0x1c9: {  	s11 =	simm.s32 $0xFFFFFFFF;
	s4 =	simm.s32 @p2 $0xFFFFFFFF  }
0x1ca: {  	s5 =	simm.s32 $0x1;
	s4 =	smov.u32 @p1 s11  }
.LBB2_33:
0x1cb: {  	s11 =	smov.u32 s4;
	p1 =	sne.s32 s4, $0xFFFFFFFF  }
0x1cc: {  	s3 =	sadd.s32 $0x1, s3;
	s4 =	smov.u32 s5;
	s5 =	sadd.s32 $0x1, s5  }
0x1cd: {  	p2 =	sne.s32 s6, s5;
	v1 =	vld.msk @!p1 [tilespmem:s3+$0x0], $0x1;
	_ =	sdelay $0x4  }
0x1ce: {  	(v2sf) =	vpush @!p1 v1, $0x0;
	_ =	sdelay $0xe  }
.Ltmp26:
0x1cf: {  	s12 =	spop @!p1 (v2sf);
	(pc) =	sbr.rel @p2 .LBB2_33-.Ltmp26, $4  }
0x1d0: {  	p3 =	seq.s32 @!p1 s2, s12  }
0x1d1: {  	p3 =	por !p3, p1  }
0x1d2: {  	s4 =	simm.s32 @p3 $0xFFFFFFFF  }
0x1d3: {  	s4 =	smov.u32 @p1 s11  }
.LBB2_34:
0x1d4: {  	p1 =	seq.s32 s4, $0xFFFFFFFF  }
.Ltmp27:
0x1d5: {  	_ = 	snop;
	(pc) =	sbr.rel @p1 .LBB2_36-.Ltmp27, $1  }
0x1d6: {  	_ =	sdelay $0x3  }
0x1d7: {  	s2 =	sshll.u32 s10, $0x6  }
0x1d8: {  	s2 =	sand.u32 $0x3FFFFFC0, s2  }
0x1d9: {  	v0 =	vld [tilespmem:s2+$0xA138];
	_ =	sdelay $0x2  }
0x1da: {  	s3 =	sshll.u32 s4, $0x8  }
0x1db: {  	s3 =	sshra.s32 s3, $0x2  }
0x1dc: {  	[tilespmem:s3+$0xA138] =	vst.add.f32.msk $0xffff, v0  }
0x1dd: {  	v0 =	vld [tilespmem:s2+$0xA148];
	_ =	sdelay $0x4  }
0x1de: {  	[tilespmem:s3+$0xA148] =	vst.add.f32.msk $0xffff, v0  }
0x1df: {  	v0 =	vld [tilespmem:s2+$0xA158];
	_ =	sdelay $0x4  }
0x1e0: {  	[tilespmem:s3+$0xA158] =	vst.add.f32.msk $0xffff, v0  }
0x1e1: {  	v0 =	vld [tilespmem:s2+$0xA168]  }
.Ltmp28:
0x1e2: {  	_ = 	snop;
	(pc) =	sbr.rel .LBB2_37-.Ltmp28, $2  }
0x1e3: {  	_ =	sdelay $0x2  }
0x1e4: {  	[tilespmem:s3+$0xA168] =	vst.add.f32.msk $0xffff, v0  }
.LBB2_38:
0x1e5: {  	s0 =	simm.s32 $0x6;
	p1 =	seq.s32 s6, $0x0  }
0x1e6: {  	[sflag:s0] =	ssyncpa.u1 $0x1;
	v0 =	vimm.s32 @p1 $0xFFFFFFFF  }
0x1e7: {  	s0 =	sadd.s32 $0xFFFFFFFF, s6;
	[tilespmem:$0xA938] =	vst @p1 v0  }
0x1e8: {  	v0 =	vld.msk @!p1 [tilespmem:s0+$0xA118], $0x1;
	_ =	sdelay $0x1  }
0x1e9: {  	v1 =	vld.msk @!p1 [tilespmem:$0xA118], $0x1;
	_ =	sdelay $0x2  }
0x1ea: {  	p2 =	seq.s32 @!p1 s0, $0x0;
	v0 =	vbroadcast @!p1 v0, $0x0  }
0x1eb: {  	vm0 =	vmmov @!p1 $0x1;
	p2 =	por !p2, p1  }
0x1ec: {  	v1 =	vnsel @!p1 vm0, $0xFFFFFFFF, v1;
	vm0 =	vcmask @!p1 $0x308;
	v0 =	vpsel !p2, $0xFFFFFFFF, v0  }
0x1ed: {  	p2 =	sne.s32 @!p1 s8, s7;
	v0 =	vsel @!p1 vm0, v1, v0  }
0x1ee: {  	s2 =	simm.s32 @!p1 $0xA138;
	s3 =	simm.s32 @!p1 $0x0;
	p3 =	por !p2, p1;
	[tilespmem:$0xA938] =	vst @!p1 v0  }
0x1ef: {  	[spmem:s3] =	stream.linear.scatter @!p1 [tilespmem:s2], [sflag:$0x1], $0x40, $0x38;
	[tilespmem:$0x1EF88] =	vst v63  }
0x1f0: {  	s2 =	sshll.u32 @!p3 s0, $0x8  }
0x1f1: {  	s2 =	sshra.s32 @!p3 s2, $0x2  }
0x1f2: {  	s3 =	simm.s32 @!p3 $0x40;
	s2 =	sadd.s32 @!p3 $0xA138, s2  }
0x1f3: {  	[spmem:s3] =	stream.linear.scatter @!p3 [tilespmem:s2], [sflag:$0x1], $0x40, $0x38;
	[tilespmem:$0x1EF88] =	vst v63  }
0x1f4: {  	s2 =	simm.s32 @!p3 $0x1  }
0x1f5: {  	_ =	swait.ge @!p3 [sflag:s2], $0x80  }
0x1f6: {  	p1 =	por p2, p1;
	[sflag:s2] =	ssyncset.done @!p3 $0x0  }
0x1f7: {  	[sflag:s2] =	ssyncadd.s32 @!p3 $0xFFFFFF80;
	s2 =	simm.s32 @!p1 $0x1  }
0x1f8: {  	_ =	swait.ge @!p1 [sflag:s2], $0x40  }
0x1f9: {  	s29 =	simm.s32 $0xA938;
	[sflag:s2] =	ssyncset.done @!p1 $0x0  }
0x1fa: {  	s30 =	simm.s32 $0x800;
	s31 =	simm.s32 $0x1;
	[sflag:s2] =	ssyncadd.s32 @!p1 $0xFFFFFFC0  }
0x1fb: {  	[spmem:s30] =	stream.linear.scatter [tilespmem:s29], [sflag:$0x1], $0x10, $0x38;
	[tilespmem:$0x1EF88] =	vst v63  }
0x1fc: {  	_ =	swait.ge [sflag:s31], $0x10  }
0x1fd: {  	[sflag:s31] =	ssyncset.done $0x0  }
0x1fe: {  	p1 =	seq.s32 s13, $0x0;
	s9 =	rddreg [dreg:$0x2];
	[sflag:s31] =	ssyncadd.s32 $0xFFFFFFF0  }
0x1ff: {  	s3 =	sshll.u32 @p1 s9, $0xE;
	s8 =	rddreg [dreg:$0x3]  }
0x200: {  	s2 =	sadd.s32 @p1 $0x15C3C, s3;
	s3 =	sshll.u32 @p1 s8, $0x11  }
0x201: {  	_ =	sfence.stream.spmem;
	s2 =	sor.u32 @p1 s3, s2  }
0x202: {  	[sflag:s2] =	ssyncadd.remote.s32 @p1 $0x1;
	s2 =	simm.s32 @p1 $0x4  }
0x203: {  	s4 =	simm.s32 @!p1 $0x3C;
	s3 =	sand.u32 $0xFFFFFFFE, s9;
	_ =	swait.ge @p1 [sflag:s2], $0x12  }
0x204: {  	s5 =	simm.s32 @!p1 $0x0;
	s3 =	sadd.s32 @!p1 $0x4, s3;
	[sflag:s2] =	ssyncset.done @p1 $0x0  }
0x205: {  	s7 =	simm.s32 @!p1 $0x80;
	[sflag:s2] =	ssyncadd.s32 @p1 $0xFFFFFFEE;
	s2 =	sshll.u32 @!p1 s3, $0x1A  }
0x206: {  	s3 =	sshll.u32 @!p1 s3, $0xD;
	s2 =	sor.u32 @!p1 s2, s8;
	_ =	swait.eq @!p1 [sflag:s4], $0x1  }
0x207: {  	s3 =	sor.u32 @!p1 $0x1C04, s3;
	s4 =	simm.s32 @!p1 $0x1C03;
	s2 =	sor.u32 @!p1 $0x80004000, s2  }
0x208: {  	[spmem:s7], [sflag:s3] =	dma.general @!p1 [spmem:s5], [sflag:s4], length:$0x10, [dreg:$0x0], stride_count:$0x0, ici_dest:s2, dma_misc:DstOpCode:WRITE  }
0x209: {  	p2 =	slt.s32 s0, $0x2;
	s5 =	simm.s32 @!p1 $0x100;
	s7 =	simm.s32 @!p1 $0x102  }
0x20a: {  	[spmem:s7], [sflag:s3] =	dma.general @!p1 [spmem:s5], [sflag:s4], length:$0x2, [dreg:$0x0], stride_count:$0x0, ici_dest:s2, dma_misc:DstOpCode:WRITE  }
.Ltmp29:
0x20b: {  	s2 =	simm.s32 @!p1 $0x3;
	(pc) =	sbr.rel @p2 .LBB2_42-.Ltmp29, $4  }
0x20c: {  	s3 =	sshll.u32 @!p1 s9, $0xE;
	_ =	swait.ge @!p1 [sflag:s2], $0x12  }
0x20d: {  	s4 =	sshll.u32 @!p1 s8, $0x11;
	s3 =	sadd.s32 @!p1 $0x11C3C, s3;
	[sflag:s2] =	ssyncset.done @!p1 $0x0  }
0x20e: {  	[sflag:s2] =	ssyncadd.s32 @!p1 $0xFFFFFFEE;
	s2 =	sor.u32 @!p1 s4, s3  }
0x20f: {  	s0 =	simm.s32 $0x0;
	[sflag:s2] =	ssyncadd.remote.s32 @!p1 $0xFFFFFFFF  }
0x210: {  	s0 =	simm.s32 $0xA119  }
0x211: {  	v0 =	vld.msk [tilespmem:s0+$0x0], $0x1;
	_ =	sdelay $0x4  }
0x212: {  	(v2sf) =	vpush v0, $0x0;
	_ =	sdelay $0xc  }
0x213: {  	s2 =	sadd.s32 $0xFFFFFFFE, s6  }
0x214: {  	s2 =	sadd.s32 $0xFFFFFFFF, s2  }
0x215: {  	p2 =	sne.s32 s2, $0x0;
	s3 =	spop (v2sf)  }
.Ltmp30:
0x216: {  	p1 =	sgt.u32 s3, $0x270F8;
	(pc) =	sbr.rel @!p2 .LBB2_41-.Ltmp30, $4  }
0x217: {  	s5 =	simm.s32 $0x0;
	s4 =	sand.u32 @!p1 $0x3FFF8, s3  }
0x218: {  	s0 =	simm.s32 $0xA178;
	s3 =	sand.u32 @!p1 $0x7, s3;
	s4 =	sadd.s32 @!p1 s1, s4  }
0x219: {  	[hbm4b:s4+s3] =	stream.linear.scatter @!p1 [tilespmem:s0], [sflag:$0x5], $0x40, $0x38;
	[tilespmem:$0x1EF88] =	vst v63  }
0x21a: {  	s5 =	simm.s32 @!p1 $0x100;
	s3 =	simm.s32 $0x0;
	s4 =	simm.s32 $0xA11A  }
.LBB2_40:
0x21b: {  	v0 =	vld.msk [tilespmem:s4+$0x0], $0x1;
	s2 =	sadd.s32 $0xFFFFFFFF, s2;
	s3 =	sadd.s32 s3, s5  }
0x21c: {  	p1 =	sne.s32 s2, $0x0;
	_ =	sdelay $0x3  }
0x21d: {  	(v2sf) =	vpush v0, $0x0;
	_ =	sdelay $0xe  }
.Ltmp31:
0x21e: {  	s6 =	spop (v2sf);
	(pc) =	sbr.rel @p1 .LBB2_40-.Ltmp31, $4  }
0x21f: {  	s5 =	simm.s32 $0x0;
	p2 =	sgt.u32 s6, $0x270F8  }
0x220: {  	s0 =	sadd.s32 $0x40, s0;
	s5 =	simm.s32 @!p2 $0x100;
	s7 =	sand.u32 @!p2 $0x3FFF8, s6  }
0x221: {  	s4 =	sadd.s32 $0x1, s4;
	s6 =	sand.u32 @!p2 $0x7, s6;
	s7 =	sadd.s32 @!p2 s1, s7  }
0x222: {  	[hbm4b:s7+s6] =	stream.linear.scatter @!p2 [tilespmem:s0], [sflag:$0x5], $0x40, $0x38;
	[tilespmem:$0x1EF88] =	vst v63  }
.LBB2_41:
0x223: {  	s0 =	sadd.s32 s3, s5  }
0x224: {  	s0 =	sshrl.u32 s0, $0x2  }
.LBB2_42:
0x225: {  	s2 =	simm.s32 $0x5  }
0x226: {  	_ =	swait.ge [sflag:s2], s0  }
0x227: {  	s31 =	ssub.s32 $0x0, s0;
	[sflag:s2] =	ssyncset.done $0x0  }
0x228: {  	[sflag:s2] =	ssyncadd.s32 s31  }
0x229: {  	[sflag:s2] =	ssyncpa.u1 $0x1  }
.LBB2_43:
0x22a: {  	s0 =	sor.u32 s13, s14  }
0x22b: {  	p1 =	sne.s32 s0, $0x0  }
.Ltmp32:
0x22c: {  	_ = 	snop;
	(pc) =	sbr.rel @p1 .LBB2_58-.Ltmp32, $3  }
0x22d: {  	_ =	sdelay $0x1  }
0x22e: {  	[bflag:$0x0] =	sbarrier.arrive $0xFFFF  }
0x22f: {  	_ =	sfence  }
0x230: {  	s2 =	simm.s32 $0x7  }
0x231: {  	s0 =	simm.s32 $0x800;
	s3 =	simm.s32 $0xA118;
	[sflag:s2] =	ssyncpa.u1 $0x0  }
0x232: {  	[tilespmem:s3], [sflag:$0x7] =	stream.linear.gather [spmem:s0], $0x20, $0x38;
	[tilespmem:$0x1EF88] =	vst v63  }
0x233: {  	s30 =	simm.s32 $0xA138;
	s0 =	simm.s32 $0x0  }
0x234: {  	[tilespmem:s30], [sflag:$0x7] =	stream.linear.gather [spmem:s0], $0x800, $0x38;
	[tilespmem:$0x1EF88] =	vst v63  }
.Ltmp33:
0x235: {  	_ = 	snop;
	(pc) =	sbr.rel .LBB2_45-.Ltmp33, $4  }
0x236: {  	_ =	swait.ge [sflag:s2], $0x820  }
0x237: {  	[sflag:s2] =	ssyncset.done $0x0  }
0x238: {  	s31 =	simm.s32 $0x8;
	[sflag:s2] =	ssyncadd.s32 $0xFFFFF7E0  }
0x239: {  	s2 =	simm.s32 $0x0;
	[sflag:s31] =	ssyncpa.u1 $0x0  }
.LBB2_51:
0x23a: {  	p1 =	slt.u32 s3, $0x270F9  }
0x23b: {  	s4 =	sand.u32 @p1 $0x3FFF8, s3  }
0x23c: {  	s3 =	sand.u32 @p1 $0x7, s3;
	s5 =	simm.s32 @p1 $0xA0C8;
	s4 =	sadd.s32 @p1 s1, s4  }
0x23d: {  	[tilespmem:s5], [sflag:$0x8] =	stream.linear.gather @p1 [hbm4b:s4+s3], $0x40, $0x38;
	[tilespmem:$0x1EF88] =	vst v63  }
0x23e: {  	s3 =	simm.s32 @p1 $0x8  }
0x23f: {  	_ =	swait.ge @p1 [sflag:s3], $0x40  }
0x240: {  	[sflag:s3] =	ssyncset.done @p1 $0x0  }
0x241: {  	[sflag:s3] =	ssyncadd.s32 @p1 $0xFFFFFFC0  }
0x242: {  	v1 =	vld @p1 [tilespmem:$0xA0C8];
	_ =	sdelay $0x2  }
0x243: {  	s3 =	sshll.u32 @p1 s2, $0x8  }
0x244: {  	s4 =	sshrl.u32 @p1 s3, $0x2  }
0x245: {  	[tilespmem:s4+$0xA138] =	vst.add.f32.msk @p1 $0xffff, v1  }
0x246: {  	v1 =	vld @p1 [tilespmem:$0xA0D8];
	_ =	sdelay $0x4  }
0x247: {  	[tilespmem:s4+$0xA148] =	vst.add.f32.msk @p1 $0xffff, v1  }
0x248: {  	v1 =	vld @p1 [tilespmem:$0xA0E8];
	_ =	sdelay $0x4  }
0x249: {  	[tilespmem:s4+$0xA158] =	vst.add.f32.msk @p1 $0xffff, v1  }
0x24a: {  	v1 =	vld @p1 [tilespmem:$0xA0F8];
	_ =	sdelay $0x3  }
0x24b: {  	s5 =	sshll.u32 @!p1 s2, $0x8  }
0x24c: {  	s5 =	smov.u32 @p1 s3;
	[tilespmem:s4+$0xA168] =	vst.add.f32.msk @p1 $0xffff, v1  }
0x24d: {  	s3 =	sshrl.u32 s5, $0x2;
	[tilespmem:s0+$0xA118] =	vst.msk $0x1, v0  }
0x24e: {  	v0 =	vld [tilespmem:s3+$0xA138];
	_ =	sdelay $0x2  }
0x24f: {  	s31 =	sshll.u32 s0, $0x8  }
0x250: {  	s4 =	sshra.s32 s31, $0x2  }
0x251: {  	[tilespmem:s4+$0xA138] =	vst v0  }
0x252: {  	v0 =	vld [tilespmem:s3+$0xA148];
	_ =	sdelay $0x4  }
0x253: {  	[tilespmem:s4+$0xA148] =	vst v0  }
0x254: {  	v0 =	vld [tilespmem:s3+$0xA158];
	_ =	sdelay $0x4  }
0x255: {  	[tilespmem:s4+$0xA158] =	vst v0  }
0x256: {  	v0 =	vld [tilespmem:s3+$0xA168];
	_ =	sdelay $0x4  }
0x257: {  	s0 =	sadd.s32 $0x1, s0;
	[tilespmem:s4+$0xA168] =	vst v0  }
.LBB2_52:
0x258: {  	s2 =	sadd.s32 $0x1, s2  }
0x259: {  	p1 =	sne.s32 s2, $0x20  }
.Ltmp34:
0x25a: {  	_ = 	snop;
	(pc) =	sbr.rel @!p1 .LBB2_53-.Ltmp34, $1  }
0x25b: {  	_ =	sdelay $0x3  }
.LBB2_45:
0x25c: {  	v0 =	vld.msk [tilespmem:s2+$0xA118], $0x1;
	_ =	sdelay $0x4  }
0x25d: {  	(v2sf) =	vpush v0, $0x0;
	_ =	sdelay $0xe  }
0x25e: {  	s3 =	spop (v2sf)  }
0x25f: {  	p1 =	seq.s32 s3, $0xFFFFFFFF  }
.Ltmp35:
0x260: {  	_ = 	snop;
	(pc) =	sbr.rel @p1 .LBB2_52-.Ltmp35, $1  }
0x261: {  	_ =	sdelay $0x3  }
0x262: {  	p1 =	slt.s32 s0, $0x1  }
.Ltmp36:
0x263: {  	_ = 	snop;
	(pc) =	sbr.rel @p1 .LBB2_51-.Ltmp36, $1  }
0x264: {  	_ =	sdelay $0x3  }
0x265: {  	s4 =	simm.s32 $0xA118;
	p1 =	por $0x0, $0x0  }
0x266: {  	v1 =	vld.msk @!p1 [tilespmem:s4+$0x0], $0x1;
	_ =	sdelay $0x4  }
0x267: {  	(v2sf) =	vpush @!p1 v1, $0x0;
	_ =	sdelay $0xd  }
0x268: {  	p3 =	sne.s32 s0, $0x1  }
.Ltmp37:
0x269: {  	s5 =	spop @!p1 (v2sf);
	(pc) =	sbr.rel @!p3 .LBB2_49-.Ltmp37, $4  }
0x26a: {  	p2 =	seq.s32 @!p1 s3, s5  }
0x26b: {  	s5 =	simm.s32 $0x0;
	p2 =	por !p2, p1  }
0x26c: {  	s7 =	simm.s32 $0xFFFFFFFF;
	s5 =	simm.s32 @p2 $0xFFFFFFFF  }
0x26d: {  	s6 =	simm.s32 $0x1;
	s5 =	smov.u32 @p1 s7  }
.LBB2_48:
0x26e: {  	s7 =	smov.u32 s5;
	p1 =	sne.s32 s5, $0xFFFFFFFF  }
0x26f: {  	s4 =	sadd.s32 $0x1, s4;
	s5 =	smov.u32 s6;
	s6 =	sadd.s32 $0x1, s6  }
0x270: {  	p2 =	sne.s32 s0, s6;
	v1 =	vld.msk @!p1 [tilespmem:s4+$0x0], $0x1;
	_ =	sdelay $0x4  }
0x271: {  	(v2sf) =	vpush @!p1 v1, $0x0;
	_ =	sdelay $0xe  }
.Ltmp38:
0x272: {  	s8 =	spop @!p1 (v2sf);
	(pc) =	sbr.rel @p2 .LBB2_48-.Ltmp38, $4  }
0x273: {  	p3 =	seq.s32 @!p1 s3, s8  }
0x274: {  	p3 =	por !p3, p1  }
0x275: {  	s5 =	simm.s32 @p3 $0xFFFFFFFF  }
0x276: {  	s5 =	smov.u32 @p1 s7  }
.LBB2_49:
0x277: {  	p1 =	seq.s32 s5, $0xFFFFFFFF  }
.Ltmp39:
0x278: {  	_ = 	snop;
	(pc) =	sbr.rel @p1 .LBB2_51-.Ltmp39, $1  }
0x279: {  	_ =	sdelay $0x3  }
0x27a: {  	s3 =	sshll.u32 s2, $0x6  }
0x27b: {  	s3 =	sand.u32 $0x3FFFFFC0, s3  }
0x27c: {  	v0 =	vld [tilespmem:s3+$0xA138];
	_ =	sdelay $0x2  }
0x27d: {  	s4 =	sshll.u32 s5, $0x8  }
0x27e: {  	s4 =	sshra.s32 s4, $0x2  }
0x27f: {  	[tilespmem:s4+$0xA138] =	vst.add.f32.msk $0xffff, v0  }
0x280: {  	v0 =	vld [tilespmem:s3+$0xA148];
	_ =	sdelay $0x4  }
0x281: {  	[tilespmem:s4+$0xA148] =	vst.add.f32.msk $0xffff, v0  }
0x282: {  	v0 =	vld [tilespmem:s3+$0xA158];
	_ =	sdelay $0x4  }
0x283: {  	[tilespmem:s4+$0xA158] =	vst.add.f32.msk $0xffff, v0  }
0x284: {  	v0 =	vld [tilespmem:s3+$0xA168]  }
.Ltmp40:
0x285: {  	_ = 	snop;
	(pc) =	sbr.rel .LBB2_52-.Ltmp40, $2  }
0x286: {  	_ =	sdelay $0x2  }
0x287: {  	[tilespmem:s4+$0xA168] =	vst.add.f32.msk $0xffff, v0  }
.LBB2_53:
0x288: {  	p1 =	slt.s32 s0, $0x1  }
.Ltmp41:
0x289: {  	_ = 	snop;
	(pc) =	sbr.rel @p1 .LBB2_57-.Ltmp41, $3  }
0x28a: {  	_ =	sdelay $0x1  }
0x28b: {  	s2 =	simm.s32 $0x8  }
0x28c: {  	[sflag:s2] =	ssyncpa.u1 $0x1;
	s2 =	simm.s32 $0x0  }
0x28d: {  	s3 =	simm.s32 $0xA118  }
0x28e: {  	v0 =	vld.msk [tilespmem:s3+$0x0], $0x1;
	_ =	sdelay $0x4  }
0x28f: {  	(v2sf) =	vpush v0, $0x0;
	_ =	sdelay $0xe  }
0x290: {  	s0 =	sadd.s32 $0xFFFFFFFF, s0;
	s4 =	spop (v2sf)  }
0x291: {  	p2 =	sne.s32 s0, $0x0;
	p1 =	sgt.u32 s4, $0x270F8  }
.Ltmp42:
0x292: {  	s5 =	sand.u32 @!p1 $0x3FFF8, s4;
	(pc) =	sbr.rel @!p2 .LBB2_56-.Ltmp42, $4  }
0x293: {  	s3 =	simm.s32 $0xA138;
	s4 =	sand.u32 @!p1 $0x7, s4;
	s5 =	sadd.s32 @!p1 s1, s5  }
0x294: {  	[hbm4b:s5+s4] =	stream.linear.scatter @!p1 [tilespmem:s3], [sflag:$0x7], $0x40, $0x38;
	[tilespmem:$0x1EF88] =	vst v63  }
0x295: {  	s5 =	simm.s32 $0x0  }
0x296: {  	s4 =	simm.s32 $0xA119;
	s5 =	simm.s32 @!p1 $0x100  }
.LBB2_55:
0x297: {  	v0 =	vld.msk [tilespmem:s4+$0x0], $0x1;
	s0 =	sadd.s32 $0xFFFFFFFF, s0;
	s2 =	sadd.s32 s2, s5  }
0x298: {  	p1 =	sne.s32 s0, $0x0;
	_ =	sdelay $0x3  }
0x299: {  	(v2sf) =	vpush v0, $0x0;
	_ =	sdelay $0xe  }
.Ltmp43:
0x29a: {  	s6 =	spop (v2sf);
	(pc) =	sbr.rel @p1 .LBB2_55-.Ltmp43, $4  }
0x29b: {  	s5 =	simm.s32 $0x0;
	p2 =	sgt.u32 s6, $0x270F8  }
0x29c: {  	s3 =	sadd.s32 $0x40, s3;
	s5 =	simm.s32 @!p2 $0x100;
	s7 =	sand.u32 @!p2 $0x3FFF8, s6  }
0x29d: {  	s4 =	sadd.s32 $0x1, s4;
	s6 =	sand.u32 @!p2 $0x7, s6;
	s7 =	sadd.s32 @!p2 s1, s7  }
0x29e: {  	[hbm4b:s7+s6] =	stream.linear.scatter @!p2 [tilespmem:s3], [sflag:$0x7], $0x40, $0x38;
	[tilespmem:$0x1EF88] =	vst v63  }
.LBB2_56:
0x29f: {  	s0 =	sadd.s32 s2, s5  }
0x2a0: {  	s2 =	sshrl.u32 s0, $0x2  }
.LBB2_57:
0x2a1: {  	s0 =	simm.s32 $0x7  }
0x2a2: {  	_ =	swait.ge [sflag:s0], s2  }
0x2a3: {  	s1 =	ssub.s32 $0x0, s2;
	[sflag:s0] =	ssyncset.done $0x0  }
0x2a4: {  	[sflag:s0] =	ssyncadd.s32 s1  }
0x2a5: {  	[sflag:s0] =	ssyncpa.u1 $0x1  }
.LBB2_58:
0x2a6: {  	_ =	sfence;
	s0 =	simm.s32 $0x1  }
0x2a7: {  	[sflag:s0] =	ssyncpa.u1 $0x1  }
0x2a8: {  	_ =	strace $0x9000004D  }
0x2a9: {  	[bflag:$0x2] =	sbarrier.arrive $0xFFFF  }
0x2aa: {  	s0 =	rddreg [dreg:$0x4]  }
0x2ab: {  	s0 =	sadd.s32 @!p0 $0x100000, s0  }
0x2ac: {  	[sflag:s0] =	ssyncadd.tile.s32 @!p0 $0x1;
	_ =	shalt  }
.Lfunc_end2:
_tile_overlayer_lowered:
.L_overlay_start_2:
0x2ad: {  	(tag) =	ssettag $0x2  }
0x2ae: {  	s0 =	rddreg [dreg:$0x0];
	s2 =	stileid.u32  }
0x2af: {  	s1 =	rddreg [dreg:$0x1];
	p0 =	sne.s32 s2, $0x0  }
0x2b0: {  	s3 =	rddreg [dreg:$0x2];
	[bflag:$0x3] =	sbarrier.arrive $0xFFFF;
	s2 =	simm.s32 @!p0 $0x1C01  }
0x2b1: {  	[timem:s3], [sflag:s2] =	dma.local @!p0 [hbm:s0], s1  }
0x2b2: {  	s0 =	simm.s32 @!p0 $0x1  }
0x2b3: {  	_ =	swait.ge @!p0 [sflag:s0], s1  }
0x2b4: {  	s1 =	ssub.s32 @!p0 $0x0, s1;
	[sflag:s0] =	ssyncset.done @!p0 $0x0  }
0x2b5: {  	[sflag:s0] =	ssyncadd.s32 @!p0 s1  }
0x2b6: {  	[bflag:$0x3] =	sbarrier.arrive $0xFFFF  }
0x2b7: {  	_ =	shalt  }

// kernel: scatter_offload_async_start
scs
__scs_entry_jumppad:
0x0: {  	(pc) =	sbr.rel $0x88, $3  }
0x1: {  	(tag) =	ssettag $0x0;
	lr =	simm.s32 $0x1  }
0x2: {  	[smem:$0x3F97] =	sst lr;
	_ =	strace $0xD0000000  }
0x3: {  	_ = 	snop  }
0x4: {  	_ = 	snop  }
0x5: {  	_ = 	snop  }
0x6: {  	_ = 	snop  }
0x7: {  	_ = 	snop  }
__scs_overlays_trampoline_lowered:
0x8: {  	[smem:$0x3FA6] =	sst s0  }
0x9: {  	[smem:$0x3FA7] =	sst s1  }
0xa: {  	[smem:$0x3FA8] =	sst s2  }
0xb: {  	[smem:$0x3FA9] =	sst s3  }
0xc: {  	[smem:$0x3FAA] =	sst s4  }
0xd: {  	[smem:$0x3FAB] =	sst s5  }
0xe: {  	[smem:$0x3FAC] =	sst s6  }
0xf: {  	[smem:$0x3FAD] =	sst s7  }
0x10: {  	[smem:$0x3FAE] =	sst s8  }
0x11: {  	[smem:$0x3FAF] =	sst s9;
	s0 =	simm.s32 @!p0 $0x0  }
0x12: {  	s1 =	sld [smem:$0x3F95];
	s0 =	simm.s32 @p0 $0x1  }
0x13: {  	[smem:$0x3FB0] =	sst s0;
	s0 =	simm.s32 @!p1 $0x0  }
0x14: {  	s2 =	sld [smem:$0x3F94];
	s0 =	simm.s32 @p1 $0x1  }
0x15: {  	[smem:$0x3FB1] =	sst s0;
	s0 =	simm.s32 @!p2 $0x0  }
0x16: {  	s3 =	sld [smem:$0x3FDB];
	s0 =	simm.s32 @p2 $0x1  }
0x17: {  	s4 =	simm.s32 $0x1BF5;
	[smem:$0x3FB3] =	sst s0  }
0x18: {  	s0 =	sld [smem:$0x3F96];
	_ =	swait.ge [sflag:s4], $0x0  }
0x19: {  	s7 =	sld [smem:$0x3F97]  }
0x1a: {  	s8 =	sadd.s32 $0xFFFFE003, lr  }
0x1b: {  	s9 =	sadd.s32 $0xFFFFFEF7, lr;
	s5 =	simm.s32 $0xFFFFFFFF;
	p2 =	slt.u32 s8, $0xFFFFF086  }
0x1c: {  	p1 =	slt.u32 s9, $0xF7A;
	s5 =	simm.s32 @!p2 $0x0  }
0x1d: {  	s5 =	simm.s32 @p1 $0x1;
	p0 =	seq.s32 s7, s2  }
0x1e: {  	s7 =	smul.u32 @!p0 $0xF7A, s2;
	p2 =	seq.s32 @!p0 s5, $0x0  }
0x1f: {  	s9 =	smul.u32 $0xF7A, s1;
	s8 =	simm.s32 @!p0 $0x1BF5;
	p2 =	por !p2, p0  }
0x20: {  	[sflag:s8] =	ssyncset.s32 @!p0 $0xFFFFF086;
	s6 =	sadd.s32 @!p0 s3, s7;
	s7 =	simm.s32 @!p0 $0x108  }
0x21: {  	s3 =	sadd.s32 s3, s9;
	s6 =	sadd.s32 @!p0 $0x88, s6;
	s7 =	simm.s32 @p2 $0x1082  }
0x22: {  	[simem:s7], [sflag:s8] =	dma.local @!p0 [hbm:s6], $0xF7A  }
0x23: {  	s9 =	sor.u32 $0xD0000000, s2;
	s6 =	simm.s32 $0x108;
	_ =	swait.ge @!p0 [sflag:s8], $0x0  }
0x24: {  	s3 =	sadd.s32 $0x88, s3;
	s6 =	simm.s32 @!p1 $0x1082;
	[sflag:s4] =	ssyncset.s32 $0xFFFFF086  }
0x25: {  	[simem:s6], [sflag:s4] =	dma.local [hbm:s3], $0xF7A  }
0x26: {  	[smem:$0x3F97] =	sst s1;
	(tag) =	ssettag s2;
	_ =	strace s9  }
0x27: {  	s1 =	sld [smem:$0x3FA7]  }
0x28: {  	s2 =	sld [smem:$0x3FA8]  }
0x29: {  	s4 =	sld [smem:$0x3FAA]  }
0x2a: {  	p0 =	seq.s32 s5, $0x0;
	s5 =	sld [smem:$0x3FAB]  }
0x2b: {  	s6 =	sld [smem:$0x3FAC]  }
0x2c: {  	s7 =	sld [smem:$0x3FAD]  }
0x2d: {  	s3 =	simm.s32 $0x108;
	s8 =	sld [smem:$0x3FAE]  }
0x2e: {  	s3 =	simm.s32 @!p0 $0x1082;
	s9 =	sld [smem:$0x3FAF]  }
0x2f: {  	lr =	sadd.s32 s0, s3;
	s0 =	sld [smem:$0x3FA6]  }
0x30: {  	s3 =	sld [smem:$0x3FA9]  }
0x31: {  	[smem:$0x3FB2] =	sst s10  }
0x32: {  	s10 =	sld [smem:$0x3FB0];
	_ =	sdelay $0x3  }
0x33: {  	p0 =	seq.s32 s10, $0x1;
	s10 =	sld [smem:$0x3FB2];
	_ =	sdelay $0x3  }
0x34: {  	[smem:$0x3FB2] =	sst s10  }
0x35: {  	s10 =	sld [smem:$0x3FB1];
	_ =	sdelay $0x3  }
0x36: {  	p1 =	seq.s32 s10, $0x1;
	s10 =	sld [smem:$0x3FB2];
	_ =	sdelay $0x3  }
0x37: {  	[smem:$0x3FB2] =	sst s10  }
0x38: {  	s10 =	sld [smem:$0x3FB3]  }
0x39: {  	_ = 	snop;
	(pc) =	sbr.ind lr, $3  }
0x3a: {  	_ = 	snop  }
0x3b: {  	_ = 	snop  }
0x3c: {  	p2 =	seq.s32 s10, $0x1;
	s10 =	sld [smem:$0x3FB2]  }
0x3d: {  	_ =	shalt  }
0x3e: {  	_ =	shalt  }
0x3f: {  	_ =	shalt  }
0x40: {  	_ =	shalt  }
0x41: {  	_ =	shalt  }
0x42: {  	_ =	shalt  }
0x43: {  	_ =	shalt  }
0x44: {  	_ =	shalt  }
0x45: {  	_ =	shalt  }
0x46: {  	_ =	shalt  }
0x47: {  	_ =	shalt  }
0x48: {  	_ =	shalt  }
0x49: {  	_ =	shalt  }
0x4a: {  	_ =	shalt  }
0x4b: {  	_ =	shalt  }
0x4c: {  	_ =	shalt  }
0x4d: {  	_ =	shalt  }
0x4e: {  	_ =	shalt  }
0x4f: {  	_ =	shalt  }
0x50: {  	_ =	shalt  }
0x51: {  	_ =	shalt  }
0x52: {  	_ =	shalt  }
0x53: {  	_ =	shalt  }
0x54: {  	_ =	shalt  }
0x55: {  	_ =	shalt  }
0x56: {  	_ =	shalt  }
0x57: {  	_ =	shalt  }
0x58: {  	_ =	shalt  }
0x59: {  	_ =	shalt  }
0x5a: {  	_ =	shalt  }
0x5b: {  	_ =	shalt  }
0x5c: {  	_ =	shalt  }
0x5d: {  	_ =	shalt  }
0x5e: {  	_ =	shalt  }
0x5f: {  	_ =	shalt  }
0x60: {  	_ =	shalt  }
0x61: {  	_ =	shalt  }
0x62: {  	_ =	shalt  }
0x63: {  	_ =	shalt  }
0x64: {  	_ =	shalt  }
0x65: {  	_ =	shalt  }
0x66: {  	_ =	shalt  }
0x67: {  	_ =	shalt  }
0x68: {  	_ =	shalt  }
0x69: {  	_ =	shalt  }
0x6a: {  	_ =	shalt  }
0x6b: {  	_ =	shalt  }
0x6c: {  	_ =	shalt  }
0x6d: {  	_ =	shalt  }
0x6e: {  	_ =	shalt  }
0x6f: {  	_ =	shalt  }
0x70: {  	_ =	shalt  }
0x71: {  	_ =	shalt  }
0x72: {  	_ =	shalt  }
0x73: {  	_ =	shalt  }
0x74: {  	_ =	shalt  }
0x75: {  	_ =	shalt  }
0x76: {  	_ =	shalt  }
0x77: {  	_ =	shalt  }
0x78: {  	_ =	shalt  }
0x79: {  	_ =	shalt  }
0x7a: {  	_ =	shalt  }
0x7b: {  	_ =	shalt  }
0x7c: {  	_ =	shalt  }
0x7d: {  	_ =	shalt  }
0x7e: {  	_ =	shalt  }
0x7f: {  	_ =	shalt  }
0x80: {  	_ =	shalt  }
0x81: {  	_ =	shalt  }
0x82: {  	_ =	shalt  }
0x83: {  	_ =	shalt  }
0x84: {  	_ =	shalt  }
0x85: {  	_ =	shalt  }
0x86: {  	_ =	shalt  }
0x87: {  	_ =	shalt  }
.Lfunc_end0:
.L_simem_size_0:
called_computation_lowered:
.L_overlay_start_0:
0x88: {  	s0 =	sld [smem:$0x3FD9]  }
0x89: {  	s1 =	sld [smem:$0x3FFE];
	_ =	sdelay $0x3  }
0x8a: {  	s0 =	sadd.s32 s1, s0  }
0x8b: {  	[smem:$0x3FBE] =	sst s0  }
0x8c: {  	_ = 	snop  }
0x8d: {  	s0 =	sld [smem:$0x3FD0];
	_ =	sdelay $0x2  }
0x8e: {  	s13 =	simm.s32 $0xA;
	s2 =	simm.s32 $0x10  }
0x8f: {  	[smem:s2], [sflag:s13] =	dma.local [hbm:s0], $0x1  }
0x90: {  	_ =	swait.eq [sflag:s13], $0x1  }
0x91: {  	[sflag:s13] =	ssyncset.done $0x0  }
0x92: {  	[sflag:s13] =	ssyncadd.s32 $0xFFFFFFFF  }
0x93: {  	s14 =	sld [smem:$0x13];
	(tm) =	ssettm $0x1  }
0x94: {  	s15 =	sld [smem:$0x3FFB];
	_ =	sdelay $0x3  }
0x95: {  	_ =	strace s15  }
0x96: {  	s1 =	sld [smem:$0x3FFC];
	_ =	sdelay $0x3  }
0x97: {  	_ =	strace s1  }
0x98: {  	s1 =	sld [smem:$0x3FFD];
	_ =	sdelay $0x3  }
0x99: {  	_ =	strace s1  }
0x9a: {  	_ =	strace $0x8FFFFFFF  }
0x9b: {  	s16 =	sld [smem:$0x3FDB];
	_ =	sdelay $0x1  }
0x9c: {  	s17 =	simm.s32 $_scs_section_size  }
0x9d: {  	s3 =	simm.s32 $_size__tile_overlayer_lowered;
	s4 =	simm.s32 $_tile_overlayer_lowered  }
0x9e: {  	s20 =	simm.s32 $0x1BFF;
	s19 =	sshll.u32 s4, $0x1;
	s1 =	sadd.s32 s17, s16  }
0x9f: {  	s5 =	simm.s32 $0x0;
	s18 =	sshll.u32 s3, $0x1;
	s3 =	sadd.s32 s19, s1  }
0xa0: {  	[timem:s5], [sflag:s20] =	dma.local [hbm:s3], s18  }
0xa1: {  	_ =	swait.ge [sflag:s20], s18  }
0xa2: {  	s2 =	ssub.s32 $0x0, s18;
	[sflag:s20] =	ssyncset.done $0x0  }
0xa3: {  	[sflag:s20] =	ssyncadd.s32 s2;
	_ =	sdelay $0x1  }
0xa4: {  	s21 =	simm.s32 $0x1B8B  }
0xa5: {  	_ =	swait.ge [sflag:s21], $0x1  }
0xa6: {  	[sflag:s21] =	ssyncset.done $0x0  }
0xa7: {  	s23 =	simm.s32 $0x1B8E;
	s22 =	sld [smem:$0x3FFE];
	[sflag:s21] =	ssyncadd.s32 $0xFFFFFFFF  }
0xa8: {  	s24 =	simm.s32 $execute0_lowered;
	[smem:$0x3FD2] =	sst s23  }
0xa9: {  	s3 =	sshll.u32 s24, $0x1;
	_ =	strace $0x80000046;
	[dreg:$0x1] =	wrdreg $0xFFFFFFFF  }
0xaa: {  	s25 =	simm.s32 $_size_execute0_lowered;
	s1 =	sadd.s32 s1, s3;
	[dreg:$0x0] =	wrdreg $0x0  }
0xab: {  	s3 =	sshll.u32 s25, $0x1;
	[dreg:$0x2] =	wrdreg s1  }
0xac: {  	[dreg:$0x3] =	wrdreg s3  }
0xad: {  	[dreg:$0x4] =	wrdreg $0xC0  }
0xae: {  	_ =	task [dreg:s5], $0x5FFFF  }
0xaf: {  	[dreg:$0x1] =	wrdreg $0xFFFFFFFF  }
0xb0: {  	[dreg:$0x0] =	wrdreg $0x60  }
0xb1: {  	[dreg:$0x2] =	wrdreg s14  }
0xb2: {  	[dreg:$0x3] =	wrdreg s22  }
0xb3: {  	[dreg:$0x4] =	wrdreg $0x9  }
0xb4: {  	_ =	task.clear_ibuf [dreg:s5], $0x5FFFF;
	_ =	strace $0x90000046  }
0xb5: {  	s26 =	simm.s32 $0x9;
	_ =	strace $0x80000048  }
0xb6: {  	_ =	swait.ge [sflag:s26], $0x1  }
0xb7: {  	[sflag:s26] =	ssyncadd.s32 $0xFFFFFFFF  }
0xb8: {  	_ =	strace $0x90000048  }
0xb9: {  	_ =	sfence  }
0xba: {  	s28 =	sld [smem:$0x0];
	_ =	sdelay $0x1  }
0xbb: {  	s29 =	srdreg.scid  }
0xbc: {  	s30 =	sshll.u32 s29, $0xD;
	s31 =	sshrl.u32 s29, $0x2  }
0xbd: {  	s2 =	sand.u32 $0x4000, s30;
	s1 =	sand.u32 $0x1, s29;
	s0 =	sadd.s32 s31, s28  }
0xbe: {  	s1 =	sor.u32 s2, s1;
	s0 =	sshll.u32 s0, $0x11  }
0xbf: {  	s0 =	sor.u32 s0, s1  }
0xc0: {  	s0 =	sadd.s32 $0x8F2B, s0  }
0xc1: {  	[sflag:s0] =	ssyncadd.remote.s32 $0x1  }
0xc2: {  	_ =	sfence.sel $0xFFFF  }
0xc3: {  	[dreg:$0x0] =	wrdreg $0xFFFFFFFF;
	(pc) =	sbr.abs _section_cstart, $3  }
0xc4: {  	[dreg:$0x1] =	wrdreg $0xFFFFFFFF  }
0xc5: {  	_ =	task.clear_ibuf [dreg:s5], $0x2FFFF;
	_ =	strace $0x9FFFFFFF  }
0xc6: {  	(tm) =	ssettm $0x7FFFFFFF  }
0xc7: {  	_ =	shalt  }
tec
execute0_lowered:
.L_overlay_start_1:
0x0: {  	(tag) =	ssettag $0x1  }
0x1: {  	s1 =	rddreg [dreg:$0x0]  }
0x2: {  	s0 =	rddreg [dreg:$0x1];
	_ =	strace $0x80000047;
	s15 =	stileid.u32  }
0x3: {  	s2 =	simm.s32 $0x1;
	s4 =	smin.u32 s15, $0x8;
	s3 =	sshll.u32 s15, $0x1  }
0x4: {  	v1 =	vimm.s32 $0xFFFFFFFF;
	[sflag:s2] =	ssyncpa.u1 $0x0;
	s4 =	sadd.s32 s4, s3  }
0x5: {  	s5 =	simm.s32 $0x5DC0;
	p0 =	slt.u32 s15, $0x8;
	[tilespmem:$0x10] =	vst v1;
	s4 =	smul.u32 $0x1F40, s4  }
0x6: {  	v0 =	vimm.f32 $0.0e+00;
	[tilespmem:$0x20] =	vst v1;
	s5 =	simm.s32 @!p0 $0x3E80  }
0x7: {  	[tilespmem:$0x30] =	vst v0;
	s5 =	sadd.s32 s5, s4  }
0x8: {  	[tilespmem:$0x40] =	vst v0;
	s5 =	smin.u32 s5, $0x4E200  }
0x9: {  	s7 =	simm.s32 $0x2;
	[tilespmem:$0x50] =	vst v0;
	s9 =	ssub.s32 s5, s4  }
0xa: {  	s8 =	simm.s32 $0x8;
	s31 =	simm.s32 $0x9;
	[tilespmem:$0x60] =	vst v1;
	p0 =	sgt.s32 s9, $0x0  }
0xb: {  	s16 =	simm.s32 $0x0;
	s17 =	simm.s32 $0xF0;
	[tilespmem:$0x70] =	vst v1;
	s9 =	simm.s32 @!p0 $0x0  }
0xc: {  	s18 =	simm.s32 $0xFFFFFFFF;
	s19 =	simm.s32 $0xFFFFC280;
	[tilespmem:$0x80] =	vst v1;
	s6 =	smulhi.u32 $0x10624DD3, s9  }
0xd: {  	s20 =	simm.s32 $0xFFFFFFFE;
	s21 =	simm.s32 $0xF;
	s25 =	simm.s32 $0x0;
	v1 =	vimm.s32 $0x0;
	[tilespmem:$0xB0] =	vst v0  }
0xe: {  	s24 =	simm.s32 $0x0;
	s15 =	sshllo.u32 s15, $0x1;
	[tilespmem:$0x90] =	vst v1;
	s10 =	sshrl.u32 s6, $0x9  }
0xf: {  	[tilespmem:$0xA0] =	vst v1;
	[sflag:s7] =	ssyncpa.u1 $0x0;
	s7 =	simm.s32 $0x7;
	s11 =	smul.u32 $0x1F40, s10  }
.Ltmp0:
0x10: {  	s13 =	sor.u32 $0x80, s3;
	[sflag:s7] =	ssyncpa.u1 $0x0;
	(pc) =	sbr.rel .LBB2_1-.Ltmp0, $4  }
0x11: {  	s14 =	sor.u32 $0x81, s3;
	[sflag:s8] =	ssyncpa.u1 $0x0;
	p0 =	sne.s32 s9, s11  }
0x12: {  	s23 =	smov.u32 s4;
	[sflag:s31] =	ssyncpa.u1 $0x0;
	s2 =	simm.s32 @!p0 $0x0  }
0x13: {  	vm0 =	vmmov $0xffff;
	v2 =	vlaneseq.u32;
	s6 =	sadd.s32 $0xA400, s0;
	s9 =	sadd.s32 $0x14200, s0;
	s10 =	sadd.s32 s2, s10  }
0x14: {  	vm1 =	vmxor vm1, vm1;
	vm2 =	vmmov $0x1;
	vm3 =	vcmask $0x3F3C;
	p0 =	por $0x0, $0x0;
	s11 =	sadd.s32 $0x1, s10;
	s12 =	sadd.s32 $0x2, s10  }
.LBB2_9:
0x15: {  	p1 =	slt.u32 s24, $0x3  }
0x16: {  	s0 =	simm.s32 @!p1 $0x2  }
0x17: {  	_ =	swait.ge @!p1 [sflag:s0], $0x1F40  }
0x18: {  	[sflag:s0] =	ssyncset.done @!p1 $0x0  }
0x19: {  	[sflag:s0] =	ssyncadd.s32 @!p1 $0xFFFFE0C0;
	s0 =	simm.s32 @!p1 $0x9  }
0x1a: {  	_ =	swait.ge @!p1 [sflag:s0], $0x10  }
0x1b: {  	[sflag:s0] =	ssyncset.done @!p1 $0x0  }
0x1c: {  	[sflag:s0] =	ssyncadd.s32 @!p1 $0xFFFFFFF0;
	p1 =	sne.s32 s24, s12  }
.Ltmp1:
0x1d: {  	s2 =	sadd.s32 $0x1F40, s23;
	(pc) =	sbr.rel @!p1 .LBB2_10-.Ltmp1, $4  }
0x1e: {  	s22 =	smov.u32 s4;
	s31 =	sadd.s32 $0x1, s24;
	s17 =	sadd.s32 $0x1F40, s17  }
0x1f: {  	s18 =	sadd.s32 $0x1, s18;
	s25 =	smov.u32 s23;
	p2 =	slt.s32 s2, s5  }
0x20: {  	p0 =	por !p0, !p0;
	s19 =	sadd.s32 $0x1F40, s19;
	s22 =	smov.u32 @p2 s2  }
0x21: {  	s20 =	sadd.s32 $0x1, s20;
	s23 =	smov.u32 s22;
	s24 =	smov.u32 s31  }
.LBB2_1:
0x22: {  	p1 =	sge.u32 s24, s10  }
0x23: {  	s0 =	smulhi.u32 @!p1 $0xAAAAAAAB, s24;
	_ =	sdelay $0x1  }
0x24: {  	s0 =	sshrl.u32 @!p1 s0, $0x1  }
0x25: {  	s0 =	smul.u32 @!p1 $0x3, s0;
	_ =	sdelay $0x1  }
0x26: {  	s0 =	ssub.s32 @!p1 s24, s0  }
0x27: {  	s0 =	smul.u32 @!p1 $0x7D00, s0;
	_ =	sdelay $0x1  }
0x28: {  	s2 =	sshrl.u32 @!p1 s23, $0x3;
	s0 =	sshrl.u32 @!p1 s0, $0x2  }
0x29: {  	s22 =	sand.u32 @!p1 $0x7, s23;
	s2 =	sadd.s32 @!p1 s6, s2;
	s0 =	sadd.s32 @!p1 $0x100, s0  }
0x2a: {  	[tilespmem:s0], [sflag:$0x7] =	stream.linear.gather @!p1 [hbm4b:s2+s22], $0x1F40, $0x38;
	[tilespmem:$0x11A60] =	vst v63  }
0x2b: {  	s0 =	sadd.s32 $0xFFFFFFFF, s24  }
0x2c: {  	p1 =	sge.u32 s0, s10  }
.Ltmp2:
0x2d: {  	_ = 	snop;
	(pc) =	sbr.rel @p1 .LBB2_5-.Ltmp2, $1  }
0x2e: {  	_ =	sdelay $0x3  }
0x2f: {  	s2 =	smulhi.u32 $0xAAAAAAAB, s0;
	_ =	sdelay $0x1  }
0x30: {  	s2 =	sshrl.u32 s2, $0x1  }
0x31: {  	s2 =	smul.u32 $0x3, s2;
	_ =	sdelay $0x1  }
0x32: {  	s2 =	ssub.s32 s0, s2  }
0x33: {  	s2 =	smul.u32 $0x7D00, s2  }
0x34: {  	_ =	swait.ge [sflag:s7], $0x1F40  }
0x35: {  	[sflag:s7] =	ssyncset.done $0x0;
	s2 =	sshrl.u32 s2, $0x2  }
0x36: {  	[sflag:s7] =	ssyncadd.s32 $0xFFFFE0C0;
	(ifvalue) =	ssetifvalue $0xFFFFFFFF;
	v3 =	vld.msk [tilespmem:s2+$0x100 ss:$0x1], $0xffff;
	_ =	sdelay $0x2  }
0x37: {  	s30 =	smulhi.u32 $0xAAAAAAAB, s18;
	p1 =	sne.s32 s24, $0x1  }
0x38: {  	v4 =	vimm.s32 @!p1 $0x0  }
0x39: {  	s2 =	sshrl.u32 s30, $0x1;
	v4 =	vperm.xlane @!p1 v3, v4  }
0x3a: {  	s22 =	sshll.u32 s24, $0x4;
	s2 =	smul.u32 $0xFFFE8900, s2;
	vm4 =	vlt.u32 v3, $0x2800  }
0x3b: {  	s22 =	sand.u32 $0x10, s22;
	v3 =	vnsel vm4, $0xFFFFFFFE, v3;
	vm4 =	vlt.u32 @!p1 v4, $0x2800  }
0x3c: {  	s2 =	sshra.s32 s2, $0x2;
	[tilespmem:s22+$0x60] =	vst v3;
	v3 =	vnsel @!p1 vm4, $0xFFFFFFFE, v4  }
0x3d: {  	s28 =	sadd.s32 s2, s17;
	[tilespmem:$0x80] =	vst @!p1 v3  }
0x3e: {  	v3 =	vld.msk [tilespmem:s28+$0x0 ss:$0x1], $0xffff;
	_ =	sdelay $0x4  }
0x3f: {  	(xrf1) =	vunique.msk.u32 $0xffff, v3;
	_ =	sdelay $0xd  }
0x40: {  	v4 =	vimm.s32 $0xFFFFFFFF;
	v5, _, _ =	vpop (xrf1)  }
0x41: {  	vm5 =	vne.s32 v3, v4;
	vm4 =	veq.s32 v5, v2  }
0x42: {  	vm6 =	vlt.u32 v3, $0x2800;
	vm4 =	vmand vm5, vm4  }
0x43: {  	vm4 =	vmand vm6, vm4  }
0x44: {  	v4 =	vnsel vm4, $0xFFFFFFFF, v3  }
0x45: {  	s31 =	sand.u32 $0x1, s0  }
0x46: {  	s0 =	simm.s32 $0x1F40;
	p1 =	seq.s32 s31, $0x1  }
0x47: {  	s0 =	simm.s32 @!p1 $0x0  }
0x48: {  	s26 =	sadd.s32 $0x7DF0, s0;
	(ifvalue) =	ssetifvalue $0xFFFFFFFF  }
0x49: {  	v3 =	vperm.xlane v3, v1;
	[tilespmem:s26], [sflag:$0x8] =	stream.indirect_vreg.gather [hbm4b:s1+s16], $0x1, v4, vm0, $0x4038;
	v4 =	vnsel vm6, $0xFFFFFFFE, v4;
	[tilespmem:$0x11A60] =	vst v63  }
0x4a: {  	s2 =	simm.s32 $0x0;
	s22 =	sadd.s32 $0xFFFFFFF0, s28;
	[tilespmem:s28+$0x0] =	vst v4  }
.LBB2_3:
0x4b: {  	v4 =	vld.msk [tilespmem:s22+$0x0 ss:$0x1], $0xffff;
	s2 =	sadd.s32 $0x10, s2;
	v5 =	vmov v3;
	s28 =	smov.u32 s22  }
0x4c: {  	p1 =	slt.u32 s2, $0x1F30;
	_ =	sdelay $0x4  }
0x4d: {  	v3 =	vperm.xlane v4, v1;
	(xrf1) =	vunique.msk.u32 $0xffff, v4;
	_ =	sdelay $0xd  }
0x4e: {  	v6, _, _ =	vpop (xrf1)  }
0x4f: {  	vm5 =	vne.s32 v4, v5;
	vm4 =	veq.s32 v6, v2  }
0x50: {  	vm6 =	vlt.u32 v4, $0x2800;
	vm4 =	vmand vm5, vm4  }
0x51: {  	vm4 =	vmand vm6, vm4  }
0x52: {  	v4 =	vnsel vm4, $0xFFFFFFFF, v4  }
.Ltmp3:
0x53: {  	v5 =	vnsel vm6, $0xFFFFFFFE, v4;
	(pc) =	sbr.rel @p1 .LBB2_3-.Ltmp3, $3  }
0x54: {  	_ =	sdelay $0x1  }
0x55: {  	s22 =	sadd.s32 $0xFFFFFFF0, s22;
	s26 =	sadd.s32 $0xFFFFFFF0, s26;
	(ifvalue) =	ssetifvalue $0xFFFFFFFF  }
0x56: {  	[tilespmem:s26], [sflag:$0x8] =	stream.indirect_vreg.gather [hbm4b:s1+s16], $0x1, v4, vm0, $0x4038;
	[tilespmem:s28+$0x0] =	vst v5  }
0x57: {  	s2 =	sshrl.u32 s25, $0x3  }
0x58: {  	s0 =	sadd.s32 $0x9D40, s0;
	s2 =	sadd.s32 s9, s2  }
0x59: {  	[tilespmem:s0], [sflag:$0x8] =	stream.linear.gather [hbm:s2], $0x1F40, $0x38;
	[tilespmem:$0x11A60] =	vst v63  }
.LBB2_5:
0x5a: {  	p1 =	slt.u32 s24, $0x2  }
0x5b: {  	p2 =	sge.u32 @!p1 s24, s12  }
0x5c: {  	p1 =	por p1, p2  }
.Ltmp4:
0x5d: {  	_ = 	snop;
	(pc) =	sbr.rel @p1 .LBB2_9-.Ltmp4, $1  }
0x5e: {  	_ =	sdelay $0x3  }
0x5f: {  	s0 =	sadd.s32 $0xFFFFFFFE, s24  }
0x60: {  	s2 =	smulhi.u32 $0xAAAAAAAB, s0;
	_ =	sdelay $0x1  }
0x61: {  	s2 =	sshrl.u32 s2, $0x1  }
0x62: {  	s2 =	smul.u32 $0x3, s2;
	_ =	sdelay $0x1  }
0x63: {  	s0 =	ssub.s32 s0, s2  }
0x64: {  	_ =	swait.ge [sflag:s8], $0x3E80;
	s0 =	smul.u32 $0x1F40, s0  }
0x65: {  	p1 =	sne.s32 s24, s11;
	[sflag:s8] =	ssyncset.done $0x0  }
0x66: {  	[sflag:s8] =	ssyncadd.s32 $0xFFFFC180;
	s2 =	sadd.s32 @!p1 $0x203F, s0  }
0x67: {  	[spmem:s14] =	stream.linear.scatter @!p1 [tilespmem:s2], [sflag:$0x1], $0x1, $0x38;
	[tilespmem:$0x11A60] =	vst v63  }
0x68: {  	s2 =	simm.s32 @!p1 $0x1  }
0x69: {  	_ =	swait.ge @!p1 [sflag:s2], $0x1  }
0x6a: {  	s22 =	sshll.u32 s24, $0x4;
	[sflag:s2] =	ssyncset.done @!p1 $0x0  }
0x6b: {  	s25 =	sand.u32 $0x10, s22;
	[sflag:s2] =	ssyncadd.s32 @!p1 $0xFFFFFFFF  }
0x6c: {  	s2 =	sxor.u32 $0x10, s25;
	v4 =	vld [tilespmem:s25+$0x10]  }
0x6d: {  	v5 =	vld [tilespmem:s2+$0x60]  }
0x6e: {  	v3 =	vld [tilespmem:$0x80];
	_ =	sdelay $0x2  }
0x6f: {  	(v2sf) =	vpush v4, $0x0  }
0x70: {  	(v2sf) =	vpush v5, $0x0  }
0x71: {  	(v2sf) =	vpush v3, $0x0;
	_ =	sdelay $0xc  }
0x72: {  	s22 =	spop (v2sf)  }
0x73: {  	s26 =	spop (v2sf)  }
0x74: {  	s28 =	spop (v2sf)  }
0x75: {  	p2 =	seq.s32 s22, s26;
	p3 =	seq.s32 s28, s22  }
0x76: {  	p3 =	por p2, p3  }
0x77: {  	s26 =	sand.u32 $0x1, s24;
	v4 =	vpsel p3, $0xFFFFFFFF, v4  }
0x78: {  	s29 =	smul.u32 $0x1F40, s26;
	[tilespmem:s25+$0x10] =	vst.msk $0x1, v4  }
0x79: {  	v4 =	vld [tilespmem:$0x30]  }
0x7a: {  	v5 =	vld [tilespmem:s29+$0x9D40]  }
0x7b: {  	v6 =	vld [tilespmem:s25+$0x40];
	_ =	sdelay $0x3  }
0x7c: {  	vm4 =	vmmov vm1;
	v5 =	vadd.f32 v5, v4  }
0x7d: {  	vm5 =	vmmov vm2;
	vm4 =	vmmov @p2 vm2;
	s22 =	sshll.u32 s26, $0x4;
	v4 =	vadd.f32 v6, v4  }
0x7e: {  	s26 =	sor.u32 $0x11A40, s22;
	vm5 =	vmmov @p3 vm1;
	[tilespmem:s29+$0x9D40] =	vst.msk vm4, v5  }
0x7f: {  	[tilespmem:s26+$0x0] =	vst.msk vm5, v4  }
0x80: {  	v4 =	vld [tilespmem:s29+$0x7DF0];
	_ =	sdelay $0x3  }
0x81: {  	v5 =	vimm.f32 $0.0e+00  }
0x82: {  	v4 =	vshift.insert v4, v5, s21  }
0x83: {  	s22 =	sor.u32 $0x40, s2  }
0x84: {  	[tilespmem:s22+$0x0] =	vst.msk $0x1, v4  }
0x85: {  	[tilespmem:s29+$0x7DFF] =	vst.msk $0x1, v5  }
0x86: {  	v4 =	vld [tilespmem:s0+$0x2030];
	_ =	sdelay $0x1  }
0x87: {  	s22 =	smulhi.u32 $0xAAAAAAAB, s20;
	s0 =	simm.s32 $0x1  }
0x88: {  	s0 =	simm.s32 @!p0 $0x0  }
0x89: {  	s22 =	sshrl.u32 s22, $0x1;
	s0 =	smul.u32 $0x7D00, s0  }
0x8a: {  	s22 =	smul.u32 $0xFFFE8900, s22;
	v4 =	vshift.insert v4, v1, s21  }
0x8b: {  	s0 =	sshrl.u32 s0, $0x2  }
0x8c: {  	s22 =	sshra.s32 s22, $0x2;
	s30 =	sadd.s32 $0x9D40, s0;
	[tilespmem:s2+$0x10] =	vst.msk $0x1, v4  }
0x8d: {  	s22 =	sadd.s32 s22, s19;
	v6 =	vld [tilespmem:s30+$0x0]  }
0x8e: {  	v7 =	vld [tilespmem:s22+$0x0];
	_ =	sdelay $0x3  }
0x8f: {  	v5 =	vadd.f32 v6, v5  }
0x90: {  	vm4 =	vne.s32 v7, $0xFFFFFFFF  }
0x91: {  	(xrf2) =	vadd.seg.scan.f32 vm4, v5;
	_ =	sdelay $0x3  }
0x92: {  	s31 =	sadd.s32 $0x5EC0, s0;
	v5 =	vperm.xlane v4, v1  }
0x93: {  	v6 =	vld [tilespmem:s31+$0x0]  }
0x94: {  	vm5 =	veq.s32 v7, v3;
	vm6 =	veq.s32 v7, v5  }
0x95: {  	vm7 =	vgt.u32 v7, $0xFFFFFFFD;
	vm6 =	vmor vm6, vm5  }
0x96: {  	vm6 =	vmor vm6, vm7  }
0x97: {  	v9 =	vld [tilespmem:$0xA0];
	v7 =	vsel vm6, $0xFFFFFFFF, v7  }
0x98: {  	v10 =	vld [tilespmem:$0x90];
	v6 =	vsel vm5, $0x0, v6;
	v8, _, _ =	vpop (xrf2)  }
0x99: {  	v6 =	vadd.f32 v8, v6  }
0x9a: {  	s0 =	sadd.s32 $0xDBC0, s0  }
0x9b: {  	vm4 =	vmand vm4, vm3;
	[tilespmem:s0+$0x0] =	vst v6;
	(ifvalue) =	ssetifvalue $0xFFFFFFFF  }
0x9c: {  	vm6 =	veq.s32 v9, $0x1;
	[hbm4b:s1+s16] =	stream.indirect_vreg.scatter [tilespmem:s0], [sflag:$0x2], $0x1, v7, vm0, $0x4038;
	v7 =	vsel vm4, $0x0, v8;
	[tilespmem:$0x11A60] =	vst v63  }
0x9d: {  	s2 =	simm.s32 $0x0;
	s22 =	sadd.s32 $0x10, s22;
	vm4 =	vmor vm6, vm5;
	v6 =	vsel vm5, v8, v10;
	v7 =	vshift.insert v7, v0, s21  }
.LBB2_7:
0x9e: {  	v8 =	vld [tilespmem:s22+$0x0];
	s30 =	sadd.s32 $0x10, s30  }
0x9f: {  	s31 =	sadd.s32 $0x10, s31;
	v9 =	vld [tilespmem:s30+$0x0]  }
0xa0: {  	s2 =	sadd.s32 $0x10, s2;
	v10 =	vld [tilespmem:s31+$0x0]  }
0xa1: {  	p2 =	slt.u32 s2, $0x1F30;
	_ =	sdelay $0x2  }
0xa2: {  	v7 =	vadd.f32 v9, v7  }
0xa3: {  	vm5 =	vne.s32 v8, $0xFFFFFFFF  }
0xa4: {  	vm6 =	vmand vm5, vm3;
	(xrf2) =	vadd.seg.scan.f32 vm5, v7;
	_ =	sdelay $0x5  }
0xa5: {  	vm7 =	veq.s32 v8, v5;
	vm5 =	veq.s32 v8, v3  }
0xa6: {  	vm8 =	vgt.u32 v8, $0xFFFFFFFD;
	vm4 =	vmor vm4, vm5;
	vm7 =	vmor vm7, vm5  }
0xa7: {  	vm7 =	vmor vm7, vm8  }
0xa8: {  	v8 =	vsel vm7, $0xFFFFFFFF, v8  }
.Ltmp5:
0xa9: {  	v7 =	vsel vm5, $0x0, v10;
	v9, _, _ =	vpop (xrf2);
	(pc) =	sbr.rel @p2 .LBB2_7-.Ltmp5, $4  }
0xaa: {  	v6 =	vsel vm5, v9, v6;
	v10 =	vadd.f32 v9, v7;
	v7 =	vsel vm6, $0x0, v9  }
0xab: {  	s0 =	sadd.s32 $0x10, s0;
	v7 =	vshift.insert v7, v0, s21  }
0xac: {  	s22 =	sadd.s32 $0x10, s22;
	[tilespmem:s0+$0x0] =	vst v10;
	(ifvalue) =	ssetifvalue $0xFFFFFFFF  }
0xad: {  	[hbm4b:s1+s16] =	stream.indirect_vreg.scatter [tilespmem:s0], [sflag:$0x2], $0x1, v8, vm0, $0x4038;
	[tilespmem:$0x11A60] =	vst v63  }
0xae: {  	v3 =	vld [tilespmem:s29+$0xFAF0];
	_ =	sdelay $0x4  }
0xaf: {  	v3 =	vshift.insert v3, v0, s21  }
0xb0: {  	s0 =	simm.s32 $0x30  }
0xb1: {  	[tilespmem:s0+$0x0] =	vst.msk $0x1, v3  }
0xb2: {  	v3 =	vsel vm4, $0x1, v1;
	[tilespmem:$0x90] =	vst v6  }
0xb3: {  	s0 =	sadd.s32 @!p1 $0xFAFF, s29;
	[tilespmem:$0xA0] =	vst v3  }
0xb4: {  	[spmem:s15] =	stream.linear.scatter @!p1 [tilespmem:s0], [sflag:$0x1], $0x1, $0x38;
	[tilespmem:$0x11A60] =	vst v63  }
0xb5: {  	s0 =	simm.s32 @!p1 $0x1  }
0xb6: {  	v3 =	vmctz.xlane @!p1 vm4;
	_ =	swait.ge @!p1 [sflag:s0], $0x1  }
0xb7: {  	(v2sf) =	vpush @!p1 v4, $0x0  }
0xb8: {  	(v2sf) =	vpush @!p1 v3, $0x0;
	_ =	sdelay $0xd  }
0xb9: {  	s2 =	spop @!p1 (v2sf)  }
0xba: {  	s22 =	spop @!p1 (v2sf)  }
0xbb: {  	p2 =	sne.s32 @!p1 s28, s2;
	p3 =	slt.s32 @!p1 s22, $0xF  }
0xbc: {  	[sflag:s0] =	ssyncset.done @!p1 $0x0;
	p2 =	por p2, p1;
	p3 =	por !p3, p1  }
0xbd: {  	[sflag:s0] =	ssyncadd.s32 @!p1 $0xFFFFFFFF;
	v3 =	vimm.s32 @!p2 $0xFFFFFFFF;
	s22 =	simm.s32 @p3 $0xF  }
0xbe: {  	[tilespmem:$0x80] =	vst @!p2 v3;
	s2 =	sadd.s32 @!p1 $0x90, s22  }
0xbf: {  	[spmem:s3] =	stream.linear.scatter @!p1 [tilespmem:s2], [sflag:$0x1], $0x1, $0x38;
	[tilespmem:$0x11A60] =	vst v63  }
0xc0: {  	_ =	swait.ge @!p1 [sflag:s0], $0x1  }
0xc1: {  	[sflag:s0] =	ssyncset.done @!p1 $0x0  }
0xc2: {  	s2 =	simm.s32 @!p1 $0x80;
	[sflag:s0] =	ssyncadd.s32 @!p1 $0xFFFFFFFF  }
0xc3: {  	[spmem:s13] =	stream.linear.scatter @!p1 [tilespmem:s2], [sflag:$0x1], $0x1, $0x38;
	[tilespmem:$0x11A60] =	vst v63  }
0xc4: {  	_ =	swait.ge @!p1 [sflag:s0], $0x1  }
0xc5: {  	[sflag:s0] =	ssyncset.done @!p1 $0x0  }
0xc6: {  	[sflag:s0] =	ssyncadd.s32 @!p1 $0xFFFFFFFF;
	(ifvalue) =	ssetifvalue $0xFFFFFFFF;
	v3 =	vld [tilespmem:s25+$0x10];
	_ =	sdelay $0x3  }
.Ltmp6:
0xc7: {  	_ = 	snop;
	(pc) =	sbr.rel .LBB2_9-.Ltmp6, $3  }
0xc8: {  	_ =	sdelay $0x1  }
0xc9: {  	(ifvalue) =	ssetifvalue $0xFFFFFFFF  }
0xca: {  	[hbm4b:s1+s16] =	stream.indirect_vreg.scatter [tilespmem:s26], [sflag:$0x9], $0x1, v3, vm0, $0x4038;
	[tilespmem:$0x11A60] =	vst v63  }
.LBB2_10:
0xcb: {  	_ =	sfence.sel $0x180000  }
0xcc: {  	s0 =	simm.s32 $0x7;
	[bflag:$0x0] =	sbarrier.arrive $0xFFFF  }
0xcd: {  	s26 =	simm.s32 $0x8;
	[sflag:s0] =	ssyncpa.u1 $0x1  }
0xce: {  	s28 =	simm.s32 $0x9;
	[sflag:s26] =	ssyncpa.u1 $0x1  }
0xcf: {  	[sflag:s28] =	ssyncpa.u1 $0x1  }
0xd0: {  	_ =	sfence.stream.spmem  }
0xd1: {  	s29 =	simm.s32 $0x3;
	[bflag:$0x0] =	sbarrier.arrive $0xFFFF  }
0xd2: {  	s30 =	simm.s32 $0x4;
	[sflag:s29] =	ssyncpa.u1 $0x1  }
0xd3: {  	s31 =	simm.s32 $0x3C;
	s2 =	stileid.u32;
	[sflag:s30] =	ssyncpa.u1 $0x1  }
0xd4: {  	p0 =	sne.s32 s2, $0x0;
	[sflag:s31] =	ssyncpa.u1 $0x1  }
0xd5: {  	s0 =	simm.s32 @p0 $0x1;
	_ =	sfence @p0  }
0xd6: {  	[sflag:s0] =	ssyncpa.u1 @p0 $0x1;
	s0 =	simm.s32 @p0 $0x2  }
0xd7: {  	[sflag:s0] =	ssyncpa.u1 @p0 $0x1  }
0xd8: {  	_ =	strace @p0 $0x90000047  }
0xd9: {  	[bflag:$0x2] =	sbarrier.arrive @p0 $0xFFFF  }
0xda: {  	_ =	shalt @p0  }
.LBB2_11:
0xdb: {  	_ =	sfence.stream.spmem;
	s0 =	simm.s32 $0x5  }
0xdc: {  	s2 =	simm.s32 $0x80;
	s3 =	simm.s32 $0xC0;
	[sflag:s0] =	ssyncpa.u1 $0x0  }
0xdd: {  	[tilespmem:s3], [sflag:$0x5] =	stream.linear.gather [spmem:s2], $0x20, $0x38;
	[tilespmem:$0x11A60] =	vst v63  }
0xde: {  	s2 =	simm.s32 $0x0;
	s3 =	simm.s32 $0xE0  }
0xdf: {  	[tilespmem:s3], [sflag:$0x5] =	stream.linear.gather [spmem:s2], $0x20, $0x38;
	[tilespmem:$0x11A60] =	vst v63  }
.Ltmp7:
0xe0: {  	_ = 	snop;
	(pc) =	sbr.rel .LBB2_12-.Ltmp7, $4  }
0xe1: {  	_ =	swait.ge [sflag:s0], $0x40  }
0xe2: {  	[sflag:s0] =	ssyncset.done $0x0  }
0xe3: {  	s31 =	simm.s32 $0x6;
	[sflag:s0] =	ssyncadd.s32 $0xFFFFFFC0  }
0xe4: {  	s4 =	simm.s32 $0x0;
	[sflag:s31] =	ssyncpa.u1 $0x0  }
.LBB2_17:
0xe5: {  	p0 =	sgt.u32 s5, $0x27FF  }
0xe6: {  	s0 =	sshrl.u32 @!p0 s5, $0x3  }
0xe7: {  	s5 =	sand.u32 @!p0 $0x7, s5;
	s6 =	simm.s32 @!p0 $0xB0;
	s0 =	sadd.s32 @!p0 s1, s0  }
0xe8: {  	[tilespmem:s6], [sflag:$0x6] =	stream.linear.gather @!p0 [hbm4b:s0+s5], $0x1, $0x38;
	[tilespmem:$0x11A60] =	vst v63  }
0xe9: {  	s0 =	simm.s32 @!p0 $0x6  }
0xea: {  	_ =	swait.ge @!p0 [sflag:s0], $0x1  }
0xeb: {  	[sflag:s0] =	ssyncset.done @!p0 $0x0  }
0xec: {  	[sflag:s0] =	ssyncadd.s32 @!p0 $0xFFFFFFFF  }
0xed: {  	v2 =	vmov @!p0 s4;
	v1 =	vld.msk @!p0 [tilespmem:$0xB0], $0x1;
	_ =	sdelay $0x3  }
0xee: {  	s0 =	simm.s32 @!p0 $0xE0  }
0xef: {  	[tilespmem:v2+s0+$0x0], v1 =	vst.idx.ret.add.f32.msk @!p0 $0x1, v1  }
0xf0: {  	[tilespmem:s2+$0xC0] =	vst.msk $0x1, v0  }
0xf1: {  	v0 =	vld.msk [tilespmem:s4+$0xE0], $0x1;
	_ =	sdelay $0x4  }
0xf2: {  	[tilespmem:s2+$0xE0] =	vst.msk $0x1, v0;
	s2 =	sadd.s32 $0x1, s2  }
.LBB2_19:
0xf3: {  	s4 =	sadd.s32 $0x1, s4  }
0xf4: {  	p0 =	sne.s32 s4, $0x20  }
.Ltmp8:
0xf5: {  	_ = 	snop;
	(pc) =	sbr.rel @!p0 .LBB2_20-.Ltmp8, $1  }
0xf6: {  	_ =	sdelay $0x3  }
.LBB2_12:
0xf7: {  	v0 =	vld.msk [tilespmem:s4+$0xC0], $0x1;
	_ =	sdelay $0x4  }
0xf8: {  	(v2sf) =	vpush v0, $0x0;
	_ =	sdelay $0xe  }
0xf9: {  	s5 =	spop (v2sf)  }
0xfa: {  	p0 =	seq.s32 s5, $0xFFFFFFFF  }
.Ltmp9:
0xfb: {  	_ = 	snop;
	(pc) =	sbr.rel @p0 .LBB2_19-.Ltmp9, $1  }
0xfc: {  	_ =	sdelay $0x3  }
0xfd: {  	p0 =	slt.s32 s2, $0x1  }
.Ltmp10:
0xfe: {  	_ = 	snop;
	(pc) =	sbr.rel @p0 .LBB2_17-.Ltmp10, $1  }
0xff: {  	_ =	sdelay $0x3  }
0x100: {  	s0 =	simm.s32 $0xC0;
	p0 =	por $0x0, $0x0  }
0x101: {  	v1 =	vld.msk @!p0 [tilespmem:s0+$0x0], $0x1;
	_ =	sdelay $0x4  }
0x102: {  	(v2sf) =	vpush @!p0 v1, $0x0;
	_ =	sdelay $0xd  }
0x103: {  	p2 =	sne.s32 s2, $0x1  }
.Ltmp11:
0x104: {  	s6 =	spop @!p0 (v2sf);
	(pc) =	sbr.rel @!p2 .LBB2_16-.Ltmp11, $4  }
0x105: {  	p1 =	seq.s32 @!p0 s5, s6  }
0x106: {  	s6 =	simm.s32 $0x0;
	p1 =	por !p1, p0  }
0x107: {  	s8 =	simm.s32 $0xFFFFFFFF;
	s6 =	simm.s32 @p1 $0xFFFFFFFF  }
0x108: {  	s7 =	simm.s32 $0x1;
	s6 =	smov.u32 @p0 s8  }
.LBB2_15:
0x109: {  	s8 =	smov.u32 s6;
	p0 =	sne.s32 s6, $0xFFFFFFFF  }
0x10a: {  	s0 =	sadd.s32 $0x1, s0;
	s6 =	smov.u32 s7;
	s7 =	sadd.s32 $0x1, s7  }
0x10b: {  	p1 =	sne.s32 s2, s7;
	v1 =	vld.msk @!p0 [tilespmem:s0+$0x0], $0x1;
	_ =	sdelay $0x4  }
0x10c: {  	(v2sf) =	vpush @!p0 v1, $0x0;
	_ =	sdelay $0xe  }
.Ltmp12:
0x10d: {  	s9 =	spop @!p0 (v2sf);
	(pc) =	sbr.rel @p1 .LBB2_15-.Ltmp12, $4  }
0x10e: {  	p2 =	seq.s32 @!p0 s5, s9  }
0x10f: {  	p2 =	por !p2, p0  }
0x110: {  	s6 =	simm.s32 @p2 $0xFFFFFFFF  }
0x111: {  	s6 =	smov.u32 @p0 s8  }
.LBB2_16:
0x112: {  	p0 =	sne.s32 s6, $0xFFFFFFFF  }
.Ltmp13:
0x113: {  	_ = 	snop;
	(pc) =	sbr.rel @!p0 .LBB2_17-.Ltmp13, $1  }
0x114: {  	_ =	sdelay $0x3  }
0x115: {  	v0 =	vld.msk [tilespmem:s4+$0xE0], $0x1;
	v1 =	vmov s6  }
.Ltmp14:
0x116: {  	_ = 	snop;
	(pc) =	sbr.rel .LBB2_19-.Ltmp14, $2  }
0x117: {  	_ =	sdelay $0x2  }
0x118: {  	[tilespmem:v1+s3+$0x0], v0 =	vst.idx.ret.add.f32.msk $0x1, v0  }
.LBB2_20:
0x119: {  	p0 =	slt.s32 s2, $0x1  }
.Ltmp15:
0x11a: {  	_ = 	snop;
	(pc) =	sbr.rel @p0 .LBB2_24-.Ltmp15, $3  }
0x11b: {  	_ =	sdelay $0x1  }
0x11c: {  	s0 =	simm.s32 $0x6  }
0x11d: {  	s3 =	simm.s32 $0x0;
	[sflag:s0] =	ssyncpa.u1 $0x1  }
0x11e: {  	s0 =	simm.s32 $0xC0  }
0x11f: {  	v0 =	vld.msk [tilespmem:s0+$0x0], $0x1;
	_ =	sdelay $0x4  }
0x120: {  	(v2sf) =	vpush v0, $0x0;
	_ =	sdelay $0xe  }
0x121: {  	s2 =	sadd.s32 $0xFFFFFFFF, s2;
	s4 =	spop (v2sf)  }
0x122: {  	p1 =	sne.s32 s2, $0x0;
	p0 =	sgt.u32 s4, $0x27FF  }
.Ltmp16:
0x123: {  	s5 =	sshrl.u32 @!p0 s4, $0x3;
	(pc) =	sbr.rel @!p1 .LBB2_23-.Ltmp16, $4  }
0x124: {  	s0 =	simm.s32 $0xE0;
	s4 =	sand.u32 @!p0 $0x7, s4;
	s5 =	sadd.s32 @!p0 s1, s5  }
0x125: {  	[hbm4b:s5+s4] =	stream.linear.scatter @!p0 [tilespmem:s0], [sflag:$0x5], $0x1, $0x38;
	[tilespmem:$0x11A60] =	vst v63  }
0x126: {  	s5 =	simm.s32 $0x0  }
0x127: {  	s4 =	simm.s32 $0xC1;
	s5 =	simm.s32 @!p0 $0x4  }
.LBB2_22:
0x128: {  	v0 =	vld.msk [tilespmem:s4+$0x0], $0x1;
	s2 =	sadd.s32 $0xFFFFFFFF, s2;
	s3 =	sadd.s32 s3, s5  }
0x129: {  	p0 =	sne.s32 s2, $0x0;
	_ =	sdelay $0x3  }
0x12a: {  	(v2sf) =	vpush v0, $0x0;
	_ =	sdelay $0xe  }
.Ltmp17:
0x12b: {  	s6 =	spop (v2sf);
	(pc) =	sbr.rel @p0 .LBB2_22-.Ltmp17, $4  }
0x12c: {  	s5 =	simm.s32 $0x0;
	p1 =	sgt.u32 s6, $0x27FF  }
0x12d: {  	s0 =	sadd.s32 $0x1, s0;
	s5 =	simm.s32 @!p1 $0x4;
	s7 =	sshrl.u32 @!p1 s6, $0x3  }
0x12e: {  	s4 =	sadd.s32 $0x1, s4;
	s6 =	sand.u32 @!p1 $0x7, s6;
	s7 =	sadd.s32 @!p1 s1, s7  }
0x12f: {  	[hbm4b:s7+s6] =	stream.linear.scatter @!p1 [tilespmem:s0], [sflag:$0x5], $0x1, $0x38;
	[tilespmem:$0x11A60] =	vst v63  }
.LBB2_23:
0x130: {  	s0 =	sadd.s32 s3, s5  }
0x131: {  	s3 =	sshrl.u32 s0, $0x2  }
.LBB2_24:
0x132: {  	s0 =	simm.s32 $0x5  }
0x133: {  	_ =	swait.ge [sflag:s0], s3  }
0x134: {  	s1 =	ssub.s32 $0x0, s3;
	[sflag:s0] =	ssyncset.done $0x0  }
0x135: {  	[sflag:s0] =	ssyncadd.s32 s1  }
0x136: {  	[sflag:s0] =	ssyncpa.u1 $0x1  }
0x137: {  	s29 =	simm.s32 $0x1;
	_ =	sfence  }
0x138: {  	s30 =	simm.s32 $0x2;
	[sflag:s29] =	ssyncpa.u1 $0x1  }
0x139: {  	[sflag:s30] =	ssyncpa.u1 $0x1  }
0x13a: {  	_ =	strace $0x90000047  }
0x13b: {  	[bflag:$0x2] =	sbarrier.arrive $0xFFFF  }
0x13c: {  	s31 =	rddreg [dreg:$0x2]  }
0x13d: {  	s0 =	sadd.s32 $0x100000, s31  }
0x13e: {  	[sflag:s0] =	ssyncadd.tile.s32 $0x1;
	_ =	shalt  }
.Lfunc_end2:
_tile_overlayer_lowered:
.L_overlay_start_2:
0x13f: {  	(tag) =	ssettag $0x2  }
0x140: {  	s0 =	rddreg [dreg:$0x0];
	s2 =	stileid.u32  }
0x141: {  	s1 =	rddreg [dreg:$0x1];
	p0 =	sne.s32 s2, $0x0  }
0x142: {  	s3 =	rddreg [dreg:$0x2];
	[bflag:$0x3] =	sbarrier.arrive $0xFFFF;
	s2 =	simm.s32 @!p0 $0x1C01  }
0x143: {  	[timem:s3], [sflag:s2] =	dma.local @!p0 [hbm:s0], s1  }
0x144: {  	s0 =	simm.s32 @!p0 $0x1  }
0x145: {  	_ =	swait.ge @!p0 [sflag:s0], s1  }
0x146: {  	s1 =	ssub.s32 @!p0 $0x0, s1;
	[sflag:s0] =	ssyncset.done @!p0 $0x0  }
0x147: {  	[sflag:s0] =	ssyncadd.s32 @!p0 s1  }
0x148: {  	[bflag:$0x3] =	sbarrier.arrive $0xFFFF  }
0x149: {  	_ =	shalt  }

</sc_bundles>
